<compile_context>
chip_gen: v7x
topology: tpu7x:2x2x1
jax: 0.10.2.dev20260603
libtpu: 0.0.44.dev20260713+nightly
codegen_flags: <defaults>
</compile_context>

<pallas_src>
import functools

import jax
import jax.numpy as jnp
from jax import lax
from jax.experimental import pallas as pl
from jax.experimental.pallas import tpu as pltpu
from jax.experimental.pallas import tpu_sc as plsc

D, H, BS, V = 5, 3, 32, 100001
VN = V - 1
CH = 10000
NCHUNK = VN // CH
NVREG = CH // 16
SUB = 25
NSUB = NVREG // SUB
VP = 100352
NC, NS, L = 2, 16, 16


def _spf(x):
    return jnp.full((L,), x, dtype=jnp.float32)


def _spi(x):
    return jnp.full((L,), x, dtype=jnp.int32)


def _sc_body(lg, st_hbm, u_hbm, out_hbm,
             tsb0, tsb1, semA0, semA1,
             stv, uv, eosv, stage):
    wid = lax.axis_index("s") * NC + lax.axis_index("c")
    r = wid
    pltpu.sync_copy(st_hbm, stv)
    pltpu.sync_copy(u_hbm, uv)
    iota = lax.iota(jnp.int32, L)
    zf = jnp.zeros((L,), jnp.float32)
    zi = jnp.zeros((L,), jnp.int32)
    r_lane = iota == _spi(r & 15)
    r_low = _spi(r) < 16
    tsbs = (tsb0, tsb1)
    semsA = (semA0, semA1)

    def rowbase(d, h):
        return pl.multiple_of(((d * H + h) * BS + r) * VP, 8)

    def a_start(d, c, par):
        off = pl.multiple_of(c * CH, 8)
        for h in range(H):
            pltpu.async_copy(lg.at[pl.ds(rowbase(d, h) + off, CH)],
                             tsbs[par].at[pl.ds(h * CH, CH)], semsA[par])

    def a_drain(d, par):
        for h in range(H):
            pltpu.make_async_copy(lg.at[pl.ds(rowbase(d, h), CH)],
                                  tsbs[par].at[pl.ds(h * CH, CH)],
                                  semsA[par]).wait()

    def item_body(d, carry0):
        doff = pl.multiple_of(d * BS, 8)
        st0 = stv[pl.ds(doff, L)]
        st1 = stv[pl.ds(doff + L, L)]
        u0 = uv[pl.ds(doff, L)]
        u1 = uv[pl.ds(doff + L, L)]
        st_sc = jnp.max(jnp.where(r_lane, jnp.where(r_low, st0, st1), zi))
        u_v = _spf(jnp.max(jnp.where(r_lane, jnp.where(r_low, u0, u1), zf)))
        sel_a = _spi(st_sc) == 0
        sel_b = _spi(st_sc) == 1

        a_start(d, 0, 0)
        a_start(d, 1, 1)

        def compute_chunk(c, par, carry):
            sa, sb, sc, sac, sacw, sabc, sabcw, sbb, sabcb, a0 = carry
            a_drain(d, par)
            buf = tsbs[par]

            def vec_body(i, ic):
                sa, sb, sc, sac, sacw, sabc, sabcw, sbb, sabcb, cs = ic
                va = buf[pl.ds(i * L, L)]
                vb = buf[pl.ds(CH + i * L, L)]
                vc = buf[pl.ds(2 * CH + i * L, L)]
                ea = jnp.exp(va)
                eb = jnp.exp(vb)
                ec = jnp.exp(vc)
                eac = ea * ec
                eabc = eac * eb
                apc = va + vc
                sa = sa + ea
                sb = sb + eb
                sc = sc + ec
                sac = sac + eac
                sabc = sabc + eabc
                sacw = sacw + eac * apc
                sabcw = sabcw + eabc * apc
                sbb = sbb + eb * vb
                sabcb = sabcb + eabc * vb
                cs = cs + jnp.where(sel_a, ea, jnp.where(sel_b, eb, ec))
                return (sa, sb, sc, sac, sacw, sabc, sabcw, sbb, sabcb, cs)

            res = lax.fori_loop(
                0, NVREG, vec_body,
                (sa, sb, sc, sac, sacw, sabc, sabcw, sbb, sabcb, zf))
            sa, sb, sc, sac, sacw, sabc, sabcw, sbb, sabcb, cs = res
            a0 = a0 + jnp.where(iota == _spi(c), _spf(jnp.sum(cs)), zf)

            @pl.when(c + 2 < NCHUNK)
            def _():
                a_start(d, c + 2, par)

            return (sa, sb, sc, sac, sacw, sabc, sabcw, sbb, sabcb, a0)

        def cc_body(cc, carry):
            carry = compute_chunk(cc * 2, 0, carry)
            carry = compute_chunk(cc * 2 + 1, 1, carry)
            return carry

        moments = lax.fori_loop(0, NCHUNK // 2, cc_body, (zf,) * 10)
        sa, sb, sc, sac, sacw, sabc, sabcw, sbb, sabcb, a0 = moments

        for h in range(H):
            eosv[pl.ds(h * L, L)] = zf
        for h in range(H):
            pltpu.sync_copy(lg.at[pl.ds(rowbase(d, h) + V - 1, 1)],
                            eosv.at[pl.ds(h * L, 1)])
        vae = eosv[pl.ds(0, L)]
        vbe = eosv[pl.ds(L, L)]
        vce = eosv[pl.ds(2 * L, L)]
        m0 = iota == 0
        ea = jnp.exp(vae)
        eb = jnp.exp(vbe)
        ec = jnp.exp(vce)
        eac = ea * ec
        eabc = eac * eb
        apc = vae + vce
        sa = sa + jnp.where(m0, ea, zf)
        sb = sb + jnp.where(m0, eb, zf)
        sc = sc + jnp.where(m0, ec, zf)
        sac = sac + jnp.where(m0, eac, zf)
        sabc = sabc + jnp.where(m0, eabc, zf)
        sacw = sacw + jnp.where(m0, eac * apc, zf)
        sabcw = sabcw + jnp.where(m0, eabc * apc, zf)
        sbb = sbb + jnp.where(m0, eb * vbe, zf)
        sabcb = sabcb + jnp.where(m0, eabc * vbe, zf)

        t_v = u_v * _spf(jnp.sum(a0))
        cp0 = plsc.cumsum(a0)
        n0 = plsc.all_reduce_population_count(cp0 < t_v)
        cstar_v = jnp.minimum(n0, _spi(NCHUNK - 1))
        cstar = jnp.max(cstar_v)
        p_v = _spf(jnp.sum(jnp.where(iota < cstar_v, a0, zf)))

        selbase = pl.multiple_of(((d * H + st_sc) * BS + r) * VP, 8)
        pltpu.sync_copy(
            lg.at[pl.ds(selbase + pl.multiple_of(cstar * CH, 8), CH)],
            tsb0.at[pl.ds(0, CH)])

        def suba_body(j, jc):
            s0, s1 = jc

            def acc_body(i, acc):
                return acc + jnp.exp(tsb0[pl.ds((j * SUB + i) * L, L)])

            sv = _spf(jnp.sum(lax.fori_loop(0, SUB, acc_body, zf)))
            jm = iota == _spi(j & 15)
            jv = _spi(j)
            s0 = s0 + jnp.where(jm & (jv < 16), sv, zf)
            s1 = s1 + jnp.where(jm & (jv >= 16), sv, zf)
            return (s0, s1)

        s0, s1 = lax.fori_loop(0, NSUB, suba_body, (zf, zf))
        lt_v = t_v - p_v
        sp0 = plsc.cumsum(s0)
        sp1 = plsc.cumsum(s1) + _spf(jnp.sum(s0))
        j0 = plsc.all_reduce_population_count(sp0 < lt_v)
        j1 = plsc.all_reduce_population_count(sp1 < lt_v)
        jstar_v = jnp.minimum(j0 + j1, _spi(NSUB - 1))
        jstar = jnp.max(jstar_v)
        jm0 = iota < jstar_v
        jm1 = (iota + 16) < jstar_v
        p2_v = p_v + _spf(jnp.sum(jnp.where(jm0, s0, zf) +
                                  jnp.where(jm1, s1, zf)))

        def scan_body(i, carry):
            cnt, carv = carry
            v = jnp.exp(tsb0[pl.ds((jstar * SUB + i) * L, L)])
            csv = plsc.cumsum(v)
            cnt = cnt + plsc.all_reduce_population_count((carv + csv) < t_v)
            carv = carv + _spf(jnp.sum(v))
            return (cnt, carv)

        cnt_v, _ = lax.fori_loop(0, SUB, scan_body, (zi, p2_v))
        nxt = jnp.minimum(cstar * CH + jstar * (SUB * L) + jnp.max(cnt_v),
                          VN - 1)

        base = pl.multiple_of(nxt & (-16), 8)
        lane_m = iota == _spi(nxt - base)
        xn = []
        for h in range(H):
            pltpu.sync_copy(lg.at[pl.ds(rowbase(d, h) + base, L)],
                            tsb1.at[pl.ds(0, L)])
            xn.append(jnp.sum(jnp.where(lane_m, tsb1[pl.ds(0, L)], zf)))

        vals = [jnp.sum(sa), jnp.sum(sb), jnp.sum(sc), jnp.sum(sac),
                jnp.sum(sacw), jnp.sum(sabc), jnp.sum(sabcw), jnp.sum(sbb),
                jnp.sum(sabcb), xn[0], xn[1], xn[2]]
        out_v = zf
        for k, s in enumerate(vals):
            out_v = out_v + jnp.where(iota == k, _spf(s), zf)
        out_v = out_v + jnp.where(iota == 12, _spi(nxt).astype(jnp.float32), zf)
        stage[:] = out_v
        pltpu.sync_copy(stage, out_hbm.at[pl.ds((d * BS + r) * L, L)])
        return carry0

    lax.fori_loop(0, D, item_body, 0)


@functools.lru_cache(maxsize=1)
def _sc_moments():
    mesh = plsc.VectorSubcoreMesh(core_axis_name="c", subcore_axis_name="s",
                                  num_cores=NC, num_subcores=NS)
    return pl.kernel(
        _sc_body,
        out_type=jax.ShapeDtypeStruct((D * BS * L,), jnp.float32),
        mesh=mesh,
        compiler_params=pltpu.CompilerParams(use_tc_tiling_on_sc=False,
                                             needs_layout_passes=False),
        scratch_types=[
            pltpu.VMEM((H * CH,), jnp.float32),
            pltpu.VMEM((H * CH,), jnp.float32),
            pltpu.SemaphoreType.DMA,
            pltpu.SemaphoreType.DMA,
            pltpu.VMEM((D * BS,), jnp.int32),
            pltpu.VMEM((D * BS,), jnp.float32),
            pltpu.VMEM((H * L,), jnp.float32),
            pltpu.VMEM((L,), jnp.float32),
        ],
    )


def _fmt_body(x_ref, o_ref):
    for rr in range(8):
        o_ref[pl.ds(rr * VP, V)] = x_ref[rr, :]


def _format(x2d):
    return pl.pallas_call(
        _fmt_body,
        grid=(D * H * BS // 8,),
        in_specs=[pl.BlockSpec((8, V), lambda i: (i, 0))],
        out_specs=pl.BlockSpec((8 * VP,), lambda i: (i,)),
        out_shape=jax.ShapeDtypeStruct((D * H * BS * VP,), jnp.float32),
    )(x2d)


def _combine_body(m_ref, st_ref, o_ref):
    total = jnp.zeros((BS,), jnp.float32)
    cum = jnp.ones((BS,), jnp.float32)
    s_cur = jnp.zeros((BS,), jnp.float32)
    for d in range(D):
        m = m_ref[d]
        sa, sb, sc = m[:, 0], m[:, 1], m[:, 2]
        sac, sacw = m[:, 3], m[:, 4]
        sabc, sabcw = m[:, 5], m[:, 6]
        sbb, sabcb = m[:, 7], m[:, 8]
        xan, xbn, xcn = m[:, 9], m[:, 10], m[:, 11]
        st = st_ref[d]
        la, lb, lc = jnp.log(sa), jnp.log(sb), jnp.log(sc)
        nac = sa * sc
        nabc = nac * sb
        sum_ac = sac / nac
        sum_acw = (sacw - (la + lc) * sac) / nac
        sum_abc = sabc / nabc
        sum_abcw = (sabcw - (la + lc) * sabc) / nabc
        sum_bb = (sbb - lb * sb) / sb
        sum_abcb = (sabcb - lb * sabc) / nabc
        middle = s_cur * (sum_ac - sum_abc) + (sum_acw - sum_abcw)
        last = sum_ac * sum_bb - sum_abcb
        total = total + cum * (middle + last)
        lpa, lpb, lpc = xan - la, xbn - lb, xcn - lc
        s_cur = s_cur + lpa + lpb + lpc
        if d < D - 1:
            mult = jnp.where(st == 0, lpb + lpc,
                             jnp.where(st == 1, lpa + lpc, lpa + lpb))
            cum = cum * jnp.exp(mult)
    o_ref[:, :] = jnp.full((1, 1), -jnp.mean(total), dtype=jnp.float32)


def _combine(m, st):
    return pl.pallas_call(
        _combine_body,
        out_shape=jax.ShapeDtypeStruct((1, 1), jnp.float32),
    )(m, st)


def kernel(logits, sampling_target, u):
    st = sampling_target.astype(jnp.int32)
    lgp = _format(logits.reshape(D * H * BS, V))
    m = _sc_moments()(lgp, st.reshape(-1), u.reshape(-1))
    return _combine(m.reshape(D, BS, L), st)[0, 0]

# --- scband reference (transcript-rebuilt; emitter-appended) ---
"""Pipeline reference for scband-pairwise-generative-retrieval-loss-14851996910022 (READ-ONLY COPY).

The authoritative reference and input builder live on the scoring server;
editing this copy changes nothing except your own understanding.
"""

import jax, jax.numpy as jnp
import numpy as np

D, BS, V = 5, 32, 100001

def setup_inputs(seed: int = 0) -> dict:
    key = jax.random.key(seed)
    k1, k2, k3 = jax.random.split(key, 3)
    logits = jax.random.normal(k1, (D, 3, BS, V), dtype=jnp.float32)
    sampling_target = jax.random.randint(k2, (D, BS), 0, 3).astype(jnp.int64)
    u = jax.random.uniform(k3, (D, BS), dtype=jnp.float32)
    return {"logits": logits, "sampling_target": sampling_target, "u": u}

def _forward(logits, u, sampling_target):
    sg = jax.lax.stop_gradient
    d_steps, _, bs, v = logits.shape
    ar = jnp.arange(bs)
    log_cur = jnp.zeros((bs, 3), dtype=jnp.float32)
    total = jnp.zeros((bs,), dtype=jnp.float32)
    cum_mult = jnp.ones((bs,), dtype=jnp.float32)
    for d in range(d_steps):
        # StepwiseGenerator.step emulated by log-softmax over vocab (incl. eos col)
        lp_pos = jax.nn.log_softmax(logits[d, 0], axis=-1)
        lp_neg = jax.nn.log_softmax(logits[d, 1], axis=-1)
        lp_q = jax.nn.log_softmax(logits[d, 2], axis=-1)
        middle = jnp.sum(
            jnp.exp(sg(lp_pos) + sg(lp_q)) * (1.0 - jnp.exp(sg(lp_neg)))
            * (jnp.sum(log_cur, axis=-1)[:, None] + lp_pos + lp_q),
            axis=-1)
        mvt = jnp.max(sg(lp_pos + lp_q), axis=-1)
        sec = (jnp.sum(jnp.exp(sg(lp_pos + lp_q) - mvt[:, None]), axis=-1) * jnp.exp(mvt))[:, None] - jnp.exp(sg(lp_pos + lp_q))
        last = jnp.sum(jnp.exp(sg(lp_neg)) * sec * lp_neg, axis=-1)
        total = total + cum_mult * (middle + last)
        st = sampling_target[d].astype(jnp.int32)
        # stack [3*bs, V-1] (drop eos col), row-gather by sampled target, multinomial via inverse-CDF
        stacks = jnp.concatenate([lp_pos[:, :-1], lp_neg[:, :-1], lp_q[:, :-1]], axis=0)
        sel = jnp.take(stacks, st * bs + ar, axis=0)
        probs = jnp.exp(sg(sel))
        cdf = jnp.cumsum(probs, axis=-1)
        next_tokens = jnp.clip(jnp.sum(cdf < (u[d][:, None] * cdf[:, -1:]), axis=-1), 0, v - 2)
        lpn_pos = lp_pos[ar, next_tokens]
        lpn_neg = lp_neg[ar, next_tokens]
        lpn_q = lp_q[ar, next_tokens]
        log_cur = log_cur + jnp.stack([lpn_pos, lpn_neg, lpn_q], axis=1)
        if d < d_steps - 1:
            mult_stack = jnp.stack([sg(lpn_neg) + sg(lpn_q), sg(lpn_pos) + sg(lpn_q), sg(lpn_pos) + sg(lpn_neg)], axis=0)
            cum_mult = cum_mult * jnp.exp(mult_stack[st, ar])
    return -jnp.mean(total)

def reference(logits, sampling_target, u):
    return _forward(logits, u, sampling_target)

if __name__ == "__main__":
    import jax
    _d = setup_inputs()
    print(jax.jit(kernel)(*tuple(_d.values())))

</pallas_src>

<mosaic_0001>
#map = affine_map<(d0, d1) -> (0)>
module attributes {stable_mosaic.version = 14 : i64} {
  func.func @_sc_body(%arg0: i32, %arg1: i32, %arg2: memref<48168960xf32, #tpu.memory_space<hbm>>, %arg3: memref<160xi32, #tpu.memory_space<hbm>>, %arg4: memref<160xf32, #tpu.memory_space<hbm>>, %arg5: memref<2560xf32, #tpu.memory_space<hbm>>, %arg6: memref<30000xf32, #tpu.memory_space<vmem>>, %arg7: memref<30000xf32, #tpu.memory_space<vmem>>, %arg8: memref<!tpu.dma_semaphore, #tpu.memory_space<semaphore_mem>>, %arg9: memref<!tpu.dma_semaphore, #tpu.memory_space<semaphore_mem>>, %arg10: memref<160xi32, #tpu.memory_space<vmem>>, %arg11: memref<160xf32, #tpu.memory_space<vmem>>, %arg12: memref<48xf32, #tpu.memory_space<vmem>>, %arg13: memref<16xf32, #tpu.memory_space<vmem>>) attributes {dimension_semantics = [#tpu.dimension_semantics<core_parallel>, #tpu.dimension_semantics<subcore_parallel>], iteration_bounds = array<i64: 2, 16>, scalar_prefetch = 0 : i64, scratch_operands = 8 : i64, tpu.core_type = #tpu.core_type<sc_vector_subcore>, window_params = [{transform_indices = #map}, {transform_indices = #map}, {transform_indices = #map}, {transform_indices = #map}]} {
    %mul3A = arith.constant 2 : i32
    %mul3A_0 = arith.muli %arg1, %mul3A : i32
    %add3A = arith.addi %mul3A_0, %arg0 : i32
    "tpu.region"() ({
      %run_scoped3A = tpu.sem_alloc : memref<!tpu.dma_semaphore, #tpu.memory_space<semaphore_mem>>
      tpu.enqueue_dma source(%arg3 : memref<160xi32, #tpu.memory_space<hbm>>) target(%arg10 : memref<160xi32, #tpu.memory_space<vmem>>) target_semaphore(%run_scoped3A : memref<!tpu.dma_semaphore, #tpu.memory_space<semaphore_mem>>)
      tpu.wait_dma2 semaphore(%run_scoped3A : memref<!tpu.dma_semaphore, #tpu.memory_space<semaphore_mem>>) src(%arg3 : memref<160xi32, #tpu.memory_space<hbm>>) dst(%arg10 : memref<160xi32, #tpu.memory_space<vmem>>)
      tpu.yield
    }) : () -> ()
    "tpu.region"() ({
      %run_scoped3A = tpu.sem_alloc : memref<!tpu.dma_semaphore, #tpu.memory_space<semaphore_mem>>
      tpu.enqueue_dma source(%arg4 : memref<160xf32, #tpu.memory_space<hbm>>) target(%arg11 : memref<160xf32, #tpu.memory_space<vmem>>) target_semaphore(%run_scoped3A : memref<!tpu.dma_semaphore, #tpu.memory_space<semaphore_mem>>)
      tpu.wait_dma2 semaphore(%run_scoped3A : memref<!tpu.dma_semaphore, #tpu.memory_space<semaphore_mem>>) src(%arg4 : memref<160xf32, #tpu.memory_space<hbm>>) dst(%arg11 : memref<160xf32, #tpu.memory_space<vmem>>)
      tpu.yield
    }) : () -> ()
    %iota3A = tpu.iota {dimensions = array<i32: 0>} : vector<16xi32>
    %broadcast_in_dim3A = arith.constant 0.000000e+00 : f32
    %broadcast_in_dim3A_1 = vector.broadcast %broadcast_in_dim3A : f32 to vector<16xf32>
    %broadcast_in_dim3A_2 = arith.constant 0 : i32
    %broadcast_in_dim3A_3 = vector.broadcast %broadcast_in_dim3A_2 : i32 to vector<16xi32>
    %and3A = arith.constant 15 : i32
    %and3A_4 = arith.andi %add3A, %and3A : i32
    %broadcast_in_dim3A_5 = vector.broadcast %and3A_4 : i32 to vector<16xi32>
    %eq3A = arith.cmpi eq, %iota3A, %broadcast_in_dim3A_5 : vector<16xi32>
    %broadcast_in_dim3A_6 = vector.broadcast %add3A : i32 to vector<16xi32>
    %lt3A = arith.constant 16 : i32
    %lt3A_7 = vector.broadcast %lt3A : i32 to vector<16xi32>
    %lt3A_8 = arith.cmpi slt, %broadcast_in_dim3A_6, %lt3A_7 : vector<16xi32>
    %scan3A = arith.constant 0 : i32
    %scan3A_9 = arith.constant 0 : i32
    %scan3A_10 = arith.constant 5 : i32
    %scan3A_11 = arith.addi %scan3A_9, %scan3A_10 : i32
    %scan3A_12 = arith.constant 1 : i32
    scf.for %scan3A_14 = %scan3A_9 to %scan3A_11 step %scan3A_12  : i32 {
      %mul3A_15 = arith.constant 32 : i32
      %mul3A_16 = arith.muli %scan3A_14, %mul3A_15 : i32
      %multiple_of3A = tpu.assume_multiple %mul3A_16, 8 : i32
      %get3A = arith.index_cast %multiple_of3A : i32 to index
      %get3A_17 = tpu.vector_load %arg10[%get3A] {strides = array<i32>} : memref<160xi32, #tpu.memory_space<vmem>>, vector<16xi32>,
      %add3A_18 = arith.constant 16 : i32
      %add3A_19 = arith.addi %multiple_of3A, %add3A_18 : i32
      %get3A_20 = arith.index_cast %add3A_19 : i32 to index
      %get3A_21 = tpu.vector_load %arg10[%get3A_20] {strides = array<i32>} : memref<160xi32, #tpu.memory_space<vmem>>, vector<16xi32>,
      %get3A_22 = arith.index_cast %multiple_of3A : i32 to index
      %get3A_23 = tpu.vector_load %arg11[%get3A_22] {strides = array<i32>} : memref<160xf32, #tpu.memory_space<vmem>>, vector<16xf32>,
      %add3A_24 = arith.constant 16 : i32
      %add3A_25 = arith.addi %multiple_of3A, %add3A_24 : i32
      %get3A_26 = arith.index_cast %add3A_25 : i32 to index
      %get3A_27 = tpu.vector_load %arg11[%get3A_26] {strides = array<i32>} : memref<160xf32, #tpu.memory_space<vmem>>, vector<16xf32>,
      %select_n3A = arith.select %lt3A_8, %get3A_17, %get3A_21 : vector<16xi1>, vector<16xi32>
      %select_n3A_28 = arith.select %eq3A, %select_n3A, %broadcast_in_dim3A_3 : vector<16xi1>, vector<16xi32>
      %reduce_max3A = arith.constant true
      %reduce_max3A_29 = vector.broadcast %reduce_max3A : i1 to vector<16xi1>
      %reduce_max3A_30 = arith.constant -2147483648 : i32
      %reduce_max3A_31 = vector.broadcast %reduce_max3A_30 : i32 to vector<16xi32>
      %reduce_max3A_32 = arith.xori %select_n3A_28, %reduce_max3A_31 : vector<16xi32>
      %reduce_max3A_33 = tpu.scan <max>, %reduce_max3A_32 masked %reduce_max3A_29 : vector<16xi32>, vector<16xi1> -> vector<16xi32>
      %reduce_max3A_34 = arith.xori %reduce_max3A_33, %reduce_max3A_31 : vector<16xi32>
      %reduce_max3A_35 = vector.extract %reduce_max3A_34[15] : i32 from vector<16xi32>
      %select_n3A_36 = arith.select %lt3A_8, %get3A_23, %get3A_27 : vector<16xi1>, vector<16xf32>
      %select_n3A_37 = arith.select %eq3A, %select_n3A_36, %broadcast_in_dim3A_1 : vector<16xi1>, vector<16xf32>
      %reduce_max3A_38 = arith.constant true
      %reduce_max3A_39 = vector.broadcast %reduce_max3A_38 : i1 to vector<16xi1>
      %reduce_max3A_40 = tpu.scan <max>, %select_n3A_37 masked %reduce_max3A_39 : vector<16xf32>, vector<16xi1> -> vector<16xf32>
      %reduce_max3A_41 = vector.extract %reduce_max3A_40[15] : f32 from vector<16xf32>
      %broadcast_in_dim3A_42 = vector.broadcast %reduce_max3A_41 : f32 to vector<16xf32>
      %broadcast_in_dim3A_43 = vector.broadcast %reduce_max3A_35 : i32 to vector<16xi32>
      %eq3A_44 = arith.constant 0 : i32
      %eq3A_45 = vector.broadcast %eq3A_44 : i32 to vector<16xi32>
      %eq3A_46 = arith.cmpi eq, %broadcast_in_dim3A_43, %eq3A_45 : vector<16xi32>
      %broadcast_in_dim3A_47 = vector.broadcast %reduce_max3A_35 : i32 to vector<16xi32>
      %eq3A_48 = arith.constant 1 : i32
      %eq3A_49 = vector.broadcast %eq3A_48 : i32 to vector<16xi32>
      %eq3A_50 = arith.cmpi eq, %broadcast_in_dim3A_47, %eq3A_49 : vector<16xi32>
      %multiple_of3A_51 = arith.constant 0 : i32
      %multiple_of3A_52 = tpu.assume_multiple %multiple_of3A_51, 8 : i32
      %mul3A_53 = arith.constant 3 : i32
      %mul3A_54 = arith.muli %scan3A_14, %mul3A_53 : i32
      %add3A_55 = arith.constant 0 : i32
      %add3A_56 = arith.addi %mul3A_54, %add3A_55 : i32
      %mul3A_57 = arith.constant 32 : i32
      %mul3A_58 = arith.muli %add3A_56, %mul3A_57 : i32
      %add3A_59 = arith.addi %mul3A_58, %add3A : i32
      %mul3A_60 = arith.constant 100352 : i32
      %mul3A_61 = arith.muli %add3A_59, %mul3A_60 : i32
      %multiple_of3A_62 = tpu.assume_multiple %mul3A_61, 8 : i32
      %add3A_63 = arith.addi %multiple_of3A_62, %multiple_of3A_52 : i32
      %dma_start3A = arith.constant 0 : i32
      %dma_start3A_64 = tpu.memref_slice %arg6[%dma_start3A] : memref<30000xf32, #tpu.memory_space<vmem>> -> memref<10000xf32, #tpu.memory_space<vmem>>
      %dma_start3A_65 = tpu.memref_slice %arg2[%add3A_63] : memref<48168960xf32, #tpu.memory_space<hbm>> -> memref<10000xf32, #tpu.memory_space<hbm>>
      %dma_start3A_66 = arith.constant 0 : i32
      %dma_start3A_67 = tpu.memref_slice %arg6[%dma_start3A_66] : memref<30000xf32, #tpu.memory_space<vmem>> -> memref<10000xf32, #tpu.memory_space<vmem>>
      %dma_start3A_68 = tpu.memref_slice %arg2[%add3A_63] : memref<48168960xf32, #tpu.memory_space<hbm>> -> memref<10000xf32, #tpu.memory_space<hbm>>
      tpu.enqueue_dma source(%dma_start3A_68 : memref<10000xf32, #tpu.memory_space<hbm>>) target(%dma_start3A_67 : memref<10000xf32, #tpu.memory_space<vmem>>) target_semaphore(%arg8 : memref<!tpu.dma_semaphore, #tpu.memory_space<semaphore_mem>>)
      %mul3A_69 = arith.constant 3 : i32
      %mul3A_70 = arith.muli %scan3A_14, %mul3A_69 : i32
      %add3A_71 = arith.constant 1 : i32
      %add3A_72 = arith.addi %mul3A_70, %add3A_71 : i32
      %mul3A_73 = arith.constant 32 : i32
      %mul3A_74 = arith.muli %add3A_72, %mul3A_73 : i32
      %add3A_75 = arith.addi %mul3A_74, %add3A : i32
      %mul3A_76 = arith.constant 100352 : i32
      %mul3A_77 = arith.muli %add3A_75, %mul3A_76 : i32
      %multiple_of3A_78 = tpu.assume_multiple %mul3A_77, 8 : i32
      %add3A_79 = arith.addi %multiple_of3A_78, %multiple_of3A_52 : i32
      %dma_start3A_80 = arith.constant 10000 : i32
      %dma_start3A_81 = tpu.memref_slice %arg6[%dma_start3A_80] : memref<30000xf32, #tpu.memory_space<vmem>> -> memref<10000xf32, #tpu.memory_space<vmem>>
      %dma_start3A_82 = tpu.memref_slice %arg2[%add3A_79] : memref<48168960xf32, #tpu.memory_space<hbm>> -> memref<10000xf32, #tpu.memory_space<hbm>>
      %dma_start3A_83 = arith.constant 10000 : i32
      %dma_start3A_84 = tpu.memref_slice %arg6[%dma_start3A_83] : memref<30000xf32, #tpu.memory_space<vmem>> -> memref<10000xf32, #tpu.memory_space<vmem>>
      %dma_start3A_85 = tpu.memref_slice %arg2[%add3A_79] : memref<48168960xf32, #tpu.memory_space<hbm>> -> memref<10000xf32, #tpu.memory_space<hbm>>
      tpu.enqueue_dma source(%dma_start3A_85 : memref<10000xf32, #tpu.memory_space<hbm>>) target(%dma_start3A_84 : memref<10000xf32, #tpu.memory_space<vmem>>) target_semaphore(%arg8 : memref<!tpu.dma_semaphore, #tpu.memory_space<semaphore_mem>>)
      %mul3A_86 = arith.constant 3 : i32
      %mul3A_87 = arith.muli %scan3A_14, %mul3A_86 : i32
      %add3A_88 = arith.constant 2 : i32
      %add3A_89 = arith.addi %mul3A_87, %add3A_88 : i32
      %mul3A_90 = arith.constant 32 : i32
      %mul3A_91 = arith.muli %add3A_89, %mul3A_90 : i32
      %add3A_92 = arith.addi %mul3A_91, %add3A : i32
      %mul3A_93 = arith.constant 100352 : i32
      %mul3A_94 = arith.muli %add3A_92, %mul3A_93 : i32
      %multiple_of3A_95 = tpu.assume_multiple %mul3A_94, 8 : i32
      %add3A_96 = arith.addi %multiple_of3A_95, %multiple_of3A_52 : i32
      %dma_start3A_97 = arith.constant 20000 : i32
      %dma_start3A_98 = tpu.memref_slice %arg6[%dma_start3A_97] : memref<30000xf32, #tpu.memory_space<vmem>> -> memref<10000xf32, #tpu.memory_space<vmem>>
      %dma_start3A_99 = tpu.memref_slice %arg2[%add3A_96] : memref<48168960xf32, #tpu.memory_space<hbm>> -> memref<10000xf32, #tpu.memory_space<hbm>>
      %dma_start3A_100 = arith.constant 20000 : i32
      %dma_start3A_101 = tpu.memref_slice %arg6[%dma_start3A_100] : memref<30000xf32, #tpu.memory_space<vmem>> -> memref<10000xf32, #tpu.memory_space<vmem>>
      %dma_start3A_102 = tpu.memref_slice %arg2[%add3A_96] : memref<48168960xf32, #tpu.memory_space<hbm>> -> memref<10000xf32, #tpu.memory_space<hbm>>
      tpu.enqueue_dma source(%dma_start3A_102 : memref<10000xf32, #tpu.memory_space<hbm>>) target(%dma_start3A_101 : memref<10000xf32, #tpu.memory_space<vmem>>) target_semaphore(%arg8 : memref<!tpu.dma_semaphore, #tpu.memory_space<semaphore_mem>>)
      %multiple_of3A_103 = arith.constant 10000 : i32
      %multiple_of3A_104 = tpu.assume_multiple %multiple_of3A_103, 8 : i32
      %mul3A_105 = arith.constant 3 : i32
      %mul3A_106 = arith.muli %scan3A_14, %mul3A_105 : i32
      %add3A_107 = arith.constant 0 : i32
      %add3A_108 = arith.addi %mul3A_106, %add3A_107 : i32
      %mul3A_109 = arith.constant 32 : i32
      %mul3A_110 = arith.muli %add3A_108, %mul3A_109 : i32
      %add3A_111 = arith.addi %mul3A_110, %add3A : i32
      %mul3A_112 = arith.constant 100352 : i32
      %mul3A_113 = arith.muli %add3A_111, %mul3A_112 : i32
      %multiple_of3A_114 = tpu.assume_multiple %mul3A_113, 8 : i32
      %add3A_115 = arith.addi %multiple_of3A_114, %multiple_of3A_104 : i32
      %dma_start3A_116 = arith.constant 0 : i32
      %dma_start3A_117 = tpu.memref_slice %arg7[%dma_start3A_116] : memref<30000xf32, #tpu.memory_space<vmem>> -> memref<10000xf32, #tpu.memory_space<vmem>>
      %dma_start3A_118 = tpu.memref_slice %arg2[%add3A_115] : memref<48168960xf32, #tpu.memory_space<hbm>> -> memref<10000xf32, #tpu.memory_space<hbm>>
      %dma_start3A_119 = arith.constant 0 : i32
      %dma_start3A_120 = tpu.memref_slice %arg7[%dma_start3A_119] : memref<30000xf32, #tpu.memory_space<vmem>> -> memref<10000xf32, #tpu.memory_space<vmem>>
      %dma_start3A_121 = tpu.memref_slice %arg2[%add3A_115] : memref<48168960xf32, #tpu.memory_space<hbm>> -> memref<10000xf32, #tpu.memory_space<hbm>>
      tpu.enqueue_dma source(%dma_start3A_121 : memref<10000xf32, #tpu.memory_space<hbm>>) target(%dma_start3A_120 : memref<10000xf32, #tpu.memory_space<vmem>>) target_semaphore(%arg9 : memref<!tpu.dma_semaphore, #tpu.memory_space<semaphore_mem>>)
      %mul3A_122 = arith.constant 3 : i32
      %mul3A_123 = arith.muli %scan3A_14, %mul3A_122 : i32
      %add3A_124 = arith.constant 1 : i32
      %add3A_125 = arith.addi %mul3A_123, %add3A_124 : i32
      %mul3A_126 = arith.constant 32 : i32
      %mul3A_127 = arith.muli %add3A_125, %mul3A_126 : i32
      %add3A_128 = arith.addi %mul3A_127, %add3A : i32
      %mul3A_129 = arith.constant 100352 : i32
      %mul3A_130 = arith.muli %add3A_128, %mul3A_129 : i32
      %multiple_of3A_131 = tpu.assume_multiple %mul3A_130, 8 : i32
      %add3A_132 = arith.addi %multiple_of3A_131, %multiple_of3A_104 : i32
      %dma_start3A_133 = arith.constant 10000 : i32
      %dma_start3A_134 = tpu.memref_slice %arg7[%dma_start3A_133] : memref<30000xf32, #tpu.memory_space<vmem>> -> memref<10000xf32, #tpu.memory_space<vmem>>
      %dma_start3A_135 = tpu.memref_slice %arg2[%add3A_132] : memref<48168960xf32, #tpu.memory_space<hbm>> -> memref<10000xf32, #tpu.memory_space<hbm>>
      %dma_start3A_136 = arith.constant 10000 : i32
      %dma_start3A_137 = tpu.memref_slice %arg7[%dma_start3A_136] : memref<30000xf32, #tpu.memory_space<vmem>> -> memref<10000xf32, #tpu.memory_space<vmem>>
      %dma_start3A_138 = tpu.memref_slice %arg2[%add3A_132] : memref<48168960xf32, #tpu.memory_space<hbm>> -> memref<10000xf32, #tpu.memory_space<hbm>>
      tpu.enqueue_dma source(%dma_start3A_138 : memref<10000xf32, #tpu.memory_space<hbm>>) target(%dma_start3A_137 : memref<10000xf32, #tpu.memory_space<vmem>>) target_semaphore(%arg9 : memref<!tpu.dma_semaphore, #tpu.memory_space<semaphore_mem>>)
      %mul3A_139 = arith.constant 3 : i32
      %mul3A_140 = arith.muli %scan3A_14, %mul3A_139 : i32
      %add3A_141 = arith.constant 2 : i32
      %add3A_142 = arith.addi %mul3A_140, %add3A_141 : i32
      %mul3A_143 = arith.constant 32 : i32
      %mul3A_144 = arith.muli %add3A_142, %mul3A_143 : i32
      %add3A_145 = arith.addi %mul3A_144, %add3A : i32
      %mul3A_146 = arith.constant 100352 : i32
      %mul3A_147 = arith.muli %add3A_145, %mul3A_146 : i32
      %multiple_of3A_148 = tpu.assume_multiple %mul3A_147, 8 : i32
      %add3A_149 = arith.addi %multiple_of3A_148, %multiple_of3A_104 : i32
      %dma_start3A_150 = arith.constant 20000 : i32
      %dma_start3A_151 = tpu.memref_slice %arg7[%dma_start3A_150] : memref<30000xf32, #tpu.memory_space<vmem>> -> memref<10000xf32, #tpu.memory_space<vmem>>
      %dma_start3A_152 = tpu.memref_slice %arg2[%add3A_149] : memref<48168960xf32, #tpu.memory_space<hbm>> -> memref<10000xf32, #tpu.memory_space<hbm>>
      %dma_start3A_153 = arith.constant 20000 : i32
      %dma_start3A_154 = tpu.memref_slice %arg7[%dma_start3A_153] : memref<30000xf32, #tpu.memory_space<vmem>> -> memref<10000xf32, #tpu.memory_space<vmem>>
      %dma_start3A_155 = tpu.memref_slice %arg2[%add3A_149] : memref<48168960xf32, #tpu.memory_space<hbm>> -> memref<10000xf32, #tpu.memory_space<hbm>>
      tpu.enqueue_dma source(%dma_start3A_155 : memref<10000xf32, #tpu.memory_space<hbm>>) target(%dma_start3A_154 : memref<10000xf32, #tpu.memory_space<vmem>>) target_semaphore(%arg9 : memref<!tpu.dma_semaphore, #tpu.memory_space<semaphore_mem>>)
      %scan3A_156 = arith.constant 0 : i32
      %scan3A_157 = arith.constant 5 : i32
      %scan3A_158 = arith.addi %scan3A_156, %scan3A_157 : i32
      %scan3A_159 = arith.constant 1 : i32
      %scan3A_160:10 = scf.for %scan3A_534 = %scan3A_156 to %scan3A_158 step %scan3A_159 iter_args(%scan3A_535 = %broadcast_in_dim3A_1, %scan3A_536 = %broadcast_in_dim3A_1, %scan3A_537 = %broadcast_in_dim3A_1, %scan3A_538 = %broadcast_in_dim3A_1, %scan3A_539 = %broadcast_in_dim3A_1, %scan3A_540 = %broadcast_in_dim3A_1, %scan3A_541 = %broadcast_in_dim3A_1, %scan3A_542 = %broadcast_in_dim3A_1, %scan3A_543 = %broadcast_in_dim3A_1, %scan3A_544 = %broadcast_in_dim3A_1) -> (vector<16xf32>, vector<16xf32>, vector<16xf32>, vector<16xf32>, vector<16xf32>, vector<16xf32>, vector<16xf32>, vector<16xf32>, vector<16xf32>, vector<16xf32>)  : i32 {
        %mul3A_545 = arith.constant 2 : i32
        %mul3A_546 = arith.muli %scan3A_534, %mul3A_545 : i32
        %mul3A_547 = arith.constant 3 : i32
        %mul3A_548 = arith.muli %scan3A_14, %mul3A_547 : i32
        %add3A_549 = arith.constant 0 : i32
        %add3A_550 = arith.addi %mul3A_548, %add3A_549 : i32
        %mul3A_551 = arith.constant 32 : i32
        %mul3A_552 = arith.muli %add3A_550, %mul3A_551 : i32
        %add3A_553 = arith.addi %mul3A_552, %add3A : i32
        %mul3A_554 = arith.constant 100352 : i32
        %mul3A_555 = arith.muli %add3A_553, %mul3A_554 : i32
        %multiple_of3A_556 = tpu.assume_multiple %mul3A_555, 8 : i32
        %dma_wait3A = arith.constant 0 : i32
        %dma_wait3A_557 = tpu.memref_slice %arg6[%dma_wait3A] : memref<30000xf32, #tpu.memory_space<vmem>> -> memref<10000xf32, #tpu.memory_space<vmem>>
        %dma_wait3A_558 = tpu.memref_slice %arg2[%multiple_of3A_556] : memref<48168960xf32, #tpu.memory_space<hbm>> -> memref<10000xf32, #tpu.memory_space<hbm>>
        %dma_wait3A_559 = arith.constant 0 : i32
        %dma_wait3A_560 = tpu.memref_slice %arg6[%dma_wait3A_559] : memref<30000xf32, #tpu.memory_space<vmem>> -> memref<10000xf32, #tpu.memory_space<vmem>>
        %dma_wait3A_561 = tpu.memref_slice %arg2[%multiple_of3A_556] : memref<48168960xf32, #tpu.memory_space<hbm>> -> memref<10000xf32, #tpu.memory_space<hbm>>
        tpu.wait_dma2 semaphore(%arg8 : memref<!tpu.dma_semaphore, #tpu.memory_space<semaphore_mem>>) src(%dma_wait3A_561 : memref<10000xf32, #tpu.memory_space<hbm>>) dst(%dma_wait3A_560 : memref<10000xf32, #tpu.memory_space<vmem>>)
        %mul3A_562 = arith.constant 3 : i32
        %mul3A_563 = arith.muli %scan3A_14, %mul3A_562 : i32
        %add3A_564 = arith.constant 1 : i32
        %add3A_565 = arith.addi %mul3A_563, %add3A_564 : i32
        %mul3A_566 = arith.constant 32 : i32
        %mul3A_567 = arith.muli %add3A_565, %mul3A_566 : i32
        %add3A_568 = arith.addi %mul3A_567, %add3A : i32
        %mul3A_569 = arith.constant 100352 : i32
        %mul3A_570 = arith.muli %add3A_568, %mul3A_569 : i32
        %multiple_of3A_571 = tpu.assume_multiple %mul3A_570, 8 : i32
        %dma_wait3A_572 = arith.constant 10000 : i32
        %dma_wait3A_573 = tpu.memref_slice %arg6[%dma_wait3A_572] : memref<30000xf32, #tpu.memory_space<vmem>> -> memref<10000xf32, #tpu.memory_space<vmem>>
        %dma_wait3A_574 = tpu.memref_slice %arg2[%multiple_of3A_571] : memref<48168960xf32, #tpu.memory_space<hbm>> -> memref<10000xf32, #tpu.memory_space<hbm>>
        %dma_wait3A_575 = arith.constant 10000 : i32
        %dma_wait3A_576 = tpu.memref_slice %arg6[%dma_wait3A_575] : memref<30000xf32, #tpu.memory_space<vmem>> -> memref<10000xf32, #tpu.memory_space<vmem>>
        %dma_wait3A_577 = tpu.memref_slice %arg2[%multiple_of3A_571] : memref<48168960xf32, #tpu.memory_space<hbm>> -> memref<10000xf32, #tpu.memory_space<hbm>>
        tpu.wait_dma2 semaphore(%arg8 : memref<!tpu.dma_semaphore, #tpu.memory_space<semaphore_mem>>) src(%dma_wait3A_577 : memref<10000xf32, #tpu.memory_space<hbm>>) dst(%dma_wait3A_576 : memref<10000xf32, #tpu.memory_space<vmem>>)
        %mul3A_578 = arith.constant 3 : i32
        %mul3A_579 = arith.muli %scan3A_14, %mul3A_578 : i32
        %add3A_580 = arith.constant 2 : i32
        %add3A_581 = arith.addi %mul3A_579, %add3A_580 : i32
        %mul3A_582 = arith.constant 32 : i32
        %mul3A_583 = arith.muli %add3A_581, %mul3A_582 : i32
        %add3A_584 = arith.addi %mul3A_583, %add3A : i32
        %mul3A_585 = arith.constant 100352 : i32
        %mul3A_586 = arith.muli %add3A_584, %mul3A_585 : i32
        %multiple_of3A_587 = tpu.assume_multiple %mul3A_586, 8 : i32
        %dma_wait3A_588 = arith.constant 20000 : i32
        %dma_wait3A_589 = tpu.memref_slice %arg6[%dma_wait3A_588] : memref<30000xf32, #tpu.memory_space<vmem>> -> memref<10000xf32, #tpu.memory_space<vmem>>
        %dma_wait3A_590 = tpu.memref_slice %arg2[%multiple_of3A_587] : memref<48168960xf32, #tpu.memory_space<hbm>> -> memref<10000xf32, #tpu.memory_space<hbm>>
        %dma_wait3A_591 = arith.constant 20000 : i32
        %dma_wait3A_592 = tpu.memref_slice %arg6[%dma_wait3A_591] : memref<30000xf32, #tpu.memory_space<vmem>> -> memref<10000xf32, #tpu.memory_space<vmem>>
        %dma_wait3A_593 = tpu.memref_slice %arg2[%multiple_of3A_587] : memref<48168960xf32, #tpu.memory_space<hbm>> -> memref<10000xf32, #tpu.memory_space<hbm>>
        tpu.wait_dma2 semaphore(%arg8 : memref<!tpu.dma_semaphore, #tpu.memory_space<semaphore_mem>>) src(%dma_wait3A_593 : memref<10000xf32, #tpu.memory_space<hbm>>) dst(%dma_wait3A_592 : memref<10000xf32, #tpu.memory_space<vmem>>)
        %scan3A_594 = arith.constant 0 : i32
        %scan3A_595 = arith.constant 625 : i32
        %scan3A_596 = arith.addi %scan3A_594, %scan3A_595 : i32
        %scan3A_597 = arith.constant 1 : i32
        %scan3A_598:10 = scf.for %scan3A_689 = %scan3A_594 to %scan3A_596 step %scan3A_597 iter_args(%scan3A_690 = %scan3A_535, %scan3A_691 = %scan3A_536, %scan3A_692 = %scan3A_537, %scan3A_693 = %scan3A_538, %scan3A_694 = %scan3A_539, %scan3A_695 = %scan3A_540, %scan3A_696 = %scan3A_541, %scan3A_697 = %scan3A_542, %scan3A_698 = %scan3A_543, %scan3A_699 = %broadcast_in_dim3A_1) -> (vector<16xf32>, vector<16xf32>, vector<16xf32>, vector<16xf32>, vector<16xf32>, vector<16xf32>, vector<16xf32>, vector<16xf32>, vector<16xf32>, vector<16xf32>)  : i32 {
          %mul3A_700 = arith.constant 16 : i32
          %mul3A_701 = arith.muli %scan3A_689, %mul3A_700 : i32
          %get3A_702 = arith.index_cast %mul3A_701 : i32 to index
          %get3A_703 = tpu.vector_load %arg6[%get3A_702] {strides = array<i32>} : memref<30000xf32, #tpu.memory_space<vmem>>, vector<16xf32>,
          %mul3A_704 = arith.constant 16 : i32
          %mul3A_705 = arith.muli %scan3A_689, %mul3A_704 : i32
          %add3A_706 = arith.constant 10000 : i32
          %add3A_707 = arith.addi %add3A_706, %mul3A_705 : i32
          %get3A_708 = arith.index_cast %add3A_707 : i32 to index
          %get3A_709 = tpu.vector_load %arg6[%get3A_708] {strides = array<i32>} : memref<30000xf32, #tpu.memory_space<vmem>>, vector<16xf32>,
          %mul3A_710 = arith.constant 16 : i32
          %mul3A_711 = arith.muli %scan3A_689, %mul3A_710 : i32
          %add3A_712 = arith.constant 20000 : i32
          %add3A_713 = arith.addi %add3A_712, %mul3A_711 : i32
          %get3A_714 = arith.index_cast %add3A_713 : i32 to index
          %get3A_715 = tpu.vector_load %arg6[%get3A_714] {strides = array<i32>} : memref<30000xf32, #tpu.memory_space<vmem>>, vector<16xf32>,
          %exp3A_716 = math.exp %get3A_703 : vector<16xf32>
          %exp3A_717 = math.exp %get3A_709 : vector<16xf32>
          %exp3A_718 = math.exp %get3A_715 : vector<16xf32>
          %mul3A_719 = arith.mulf %exp3A_716, %exp3A_718 : vector<16xf32>
          %mul3A_720 = arith.mulf %mul3A_719, %exp3A_717 : vector<16xf32>
          %add3A_721 = arith.addf %get3A_703, %get3A_715 : vector<16xf32>
          %add3A_722 = arith.addf %scan3A_690, %exp3A_716 : vector<16xf32>
          %add3A_723 = arith.addf %scan3A_691, %exp3A_717 : vector<16xf32>
          %add3A_724 = arith.addf %scan3A_692, %exp3A_718 : vector<16xf32>
          %add3A_725 = arith.addf %scan3A_693, %mul3A_719 : vector<16xf32>
          %add3A_726 = arith.addf %scan3A_695, %mul3A_720 : vector<16xf32>
          %mul3A_727 = arith.mulf %mul3A_719, %add3A_721 : vector<16xf32>
          %add3A_728 = arith.addf %scan3A_694, %mul3A_727 : vector<16xf32>
          %mul3A_729 = arith.mulf %mul3A_720, %add3A_721 : vector<16xf32>
          %add3A_730 = arith.addf %scan3A_696, %mul3A_729 : vector<16xf32>
          %mul3A_731 = arith.mulf %exp3A_717, %get3A_709 : vector<16xf32>
          %add3A_732 = arith.addf %scan3A_697, %mul3A_731 : vector<16xf32>
          %mul3A_733 = arith.mulf %mul3A_720, %get3A_709 : vector<16xf32>
          %add3A_734 = arith.addf %scan3A_698, %mul3A_733 : vector<16xf32>
          %select_n3A_735 = arith.select %eq3A_50, %exp3A_717, %exp3A_718 : vector<16xi1>, vector<16xf32>
          %select_n3A_736 = arith.select %eq3A_46, %exp3A_716, %select_n3A_735 : vector<16xi1>, vector<16xf32>
          %add3A_737 = arith.addf %scan3A_699, %select_n3A_736 : vector<16xf32>
          scf.yield %add3A_722, %add3A_723, %add3A_724, %add3A_725, %add3A_728, %add3A_726, %add3A_730, %add3A_732, %add3A_734, %add3A_737 : vector<16xf32>, vector<16xf32>, vector<16xf32>, vector<16xf32>, vector<16xf32>, vector<16xf32>, vector<16xf32>, vector<16xf32>, vector<16xf32>, vector<16xf32>
        }
        %scan3A_599 = arith.constant 625 : i32
        %broadcast_in_dim3A_600 = vector.broadcast %mul3A_546 : i32 to vector<16xi32>
        %eq3A_601 = arith.cmpi eq, %iota3A, %broadcast_in_dim3A_600 : vector<16xi32>
        %reduce_sum3A_602 = arith.constant true
        %reduce_sum3A_603 = vector.broadcast %reduce_sum3A_602 : i1 to vector<16xi1>
        %reduce_sum3A_604 = tpu.scan <sum>, %scan3A_598#9 masked %reduce_sum3A_603 : vector<16xf32>, vector<16xi1> -> vector<16xf32>
        %reduce_sum3A_605 = vector.extract %reduce_sum3A_604[15] : f32 from vector<16xf32>
        %broadcast_in_dim3A_606 = vector.broadcast %reduce_sum3A_605 : f32 to vector<16xf32>
        %select_n3A_607 = arith.select %eq3A_601, %broadcast_in_dim3A_606, %broadcast_in_dim3A_1 : vector<16xi1>, vector<16xf32>
        %add3A_608 = arith.addf %scan3A_544, %select_n3A_607 : vector<16xf32>
        %add3A_609 = arith.constant 2 : i32
        %add3A_610 = arith.addi %mul3A_546, %add3A_609 : i32
        %lt3A_611 = arith.constant 10 : i32
        %lt3A_612 = arith.cmpi slt, %add3A_610, %lt3A_611 : i32
        %convert_element_type3A_613 = arith.extui %lt3A_612 : i1 to i32
        %cond3A = arith.constant 0 : i32
        %cond3A_614 = arith.cmpi ne, %convert_element_type3A_613, %cond3A : i32
        scf.if %cond3A_614 {
          %add3A_689 = arith.constant 2 : i32
          %add3A_690 = arith.addi %mul3A_546, %add3A_689 : i32
          %mul3A_691 = arith.constant 10000 : i32
          %mul3A_692 = arith.muli %add3A_690, %mul3A_691 : i32
          %multiple_of3A_693 = tpu.assume_multiple %mul3A_692, 8 : i32
          %mul3A_694 = arith.constant 3 : i32
          %mul3A_695 = arith.muli %scan3A_14, %mul3A_694 : i32
          %add3A_696 = arith.constant 0 : i32
          %add3A_697 = arith.addi %mul3A_695, %add3A_696 : i32
          %mul3A_698 = arith.constant 32 : i32
          %mul3A_699 = arith.muli %add3A_697, %mul3A_698 : i32
          %add3A_700 = arith.addi %mul3A_699, %add3A : i32
          %mul3A_701 = arith.constant 100352 : i32
          %mul3A_702 = arith.muli %add3A_700, %mul3A_701 : i32
          %multiple_of3A_703 = tpu.assume_multiple %mul3A_702, 8 : i32
          %add3A_704 = arith.addi %multiple_of3A_703, %multiple_of3A_693 : i32
          %dma_start3A_705 = arith.constant 0 : i32
          %dma_start3A_706 = tpu.memref_slice %arg6[%dma_start3A_705] : memref<30000xf32, #tpu.memory_space<vmem>> -> memref<10000xf32, #tpu.memory_space<vmem>>
          %dma_start3A_707 = tpu.memref_slice %arg2[%add3A_704] : memref<48168960xf32, #tpu.memory_space<hbm>> -> memref<10000xf32, #tpu.memory_space<hbm>>
          %dma_start3A_708 = arith.constant 0 : i32
          %dma_start3A_709 = tpu.memref_slice %arg6[%dma_start3A_708] : memref<30000xf32, #tpu.memory_space<vmem>> -> memref<10000xf32, #tpu.memory_space<vmem>>
          %dma_start3A_710 = tpu.memref_slice %arg2[%add3A_704] : memref<48168960xf32, #tpu.memory_space<hbm>> -> memref<10000xf32, #tpu.memory_space<hbm>>
          tpu.enqueue_dma source(%dma_start3A_710 : memref<10000xf32, #tpu.memory_space<hbm>>) target(%dma_start3A_709 : memref<10000xf32, #tpu.memory_space<vmem>>) target_semaphore(%arg8 : memref<!tpu.dma_semaphore, #tpu.memory_space<semaphore_mem>>)
          %mul3A_711 = arith.constant 3 : i32
          %mul3A_712 = arith.muli %scan3A_14, %mul3A_711 : i32
          %add3A_713 = arith.constant 1 : i32
          %add3A_714 = arith.addi %mul3A_712, %add3A_713 : i32
          %mul3A_715 = arith.constant 32 : i32
          %mul3A_716 = arith.muli %add3A_714, %mul3A_715 : i32
          %add3A_717 = arith.addi %mul3A_716, %add3A : i32
          %mul3A_718 = arith.constant 100352 : i32
          %mul3A_719 = arith.muli %add3A_717, %mul3A_718 : i32
          %multiple_of3A_720 = tpu.assume_multiple %mul3A_719, 8 : i32
          %add3A_721 = arith.addi %multiple_of3A_720, %multiple_of3A_693 : i32
          %dma_start3A_722 = arith.constant 10000 : i32
          %dma_start3A_723 = tpu.memref_slice %arg6[%dma_start3A_722] : memref<30000xf32, #tpu.memory_space<vmem>> -> memref<10000xf32, #tpu.memory_space<vmem>>
          %dma_start3A_724 = tpu.memref_slice %arg2[%add3A_721] : memref<48168960xf32, #tpu.memory_space<hbm>> -> memref<10000xf32, #tpu.memory_space<hbm>>
          %dma_start3A_725 = arith.constant 10000 : i32
          %dma_start3A_726 = tpu.memref_slice %arg6[%dma_start3A_725] : memref<30000xf32, #tpu.memory_space<vmem>> -> memref<10000xf32, #tpu.memory_space<vmem>>
          %dma_start3A_727 = tpu.memref_slice %arg2[%add3A_721] : memref<48168960xf32, #tpu.memory_space<hbm>> -> memref<10000xf32, #tpu.memory_space<hbm>>
          tpu.enqueue_dma source(%dma_start3A_727 : memref<10000xf32, #tpu.memory_space<hbm>>) target(%dma_start3A_726 : memref<10000xf32, #tpu.memory_space<vmem>>) target_semaphore(%arg8 : memref<!tpu.dma_semaphore, #tpu.memory_space<semaphore_mem>>)
          %mul3A_728 = arith.constant 3 : i32
          %mul3A_729 = arith.muli %scan3A_14, %mul3A_728 : i32
          %add3A_730 = arith.constant 2 : i32
          %add3A_731 = arith.addi %mul3A_729, %add3A_730 : i32
          %mul3A_732 = arith.constant 32 : i32
          %mul3A_733 = arith.muli %add3A_731, %mul3A_732 : i32
          %add3A_734 = arith.addi %mul3A_733, %add3A : i32
          %mul3A_735 = arith.constant 100352 : i32
          %mul3A_736 = arith.muli %add3A_734, %mul3A_735 : i32
          %multiple_of3A_737 = tpu.assume_multiple %mul3A_736, 8 : i32
          %add3A_738 = arith.addi %multiple_of3A_737, %multiple_of3A_693 : i32
          %dma_start3A_739 = arith.constant 20000 : i32
          %dma_start3A_740 = tpu.memref_slice %arg6[%dma_start3A_739] : memref<30000xf32, #tpu.memory_space<vmem>> -> memref<10000xf32, #tpu.memory_space<vmem>>
          %dma_start3A_741 = tpu.memref_slice %arg2[%add3A_738] : memref<48168960xf32, #tpu.memory_space<hbm>> -> memref<10000xf32, #tpu.memory_space<hbm>>
          %dma_start3A_742 = arith.constant 20000 : i32
          %dma_start3A_743 = tpu.memref_slice %arg6[%dma_start3A_742] : memref<30000xf32, #tpu.memory_space<vmem>> -> memref<10000xf32, #tpu.memory_space<vmem>>
          %dma_start3A_744 = tpu.memref_slice %arg2[%add3A_738] : memref<48168960xf32, #tpu.memory_space<hbm>> -> memref<10000xf32, #tpu.memory_space<hbm>>
          tpu.enqueue_dma source(%dma_start3A_744 : memref<10000xf32, #tpu.memory_space<hbm>>) target(%dma_start3A_743 : memref<10000xf32, #tpu.memory_space<vmem>>) target_semaphore(%arg8 : memref<!tpu.dma_semaphore, #tpu.memory_space<semaphore_mem>>)
        } else {
        }
        %mul3A_615 = arith.constant 2 : i32
        %mul3A_616 = arith.muli %scan3A_534, %mul3A_615 : i32
        %add3A_617 = arith.constant 1 : i32
        %add3A_618 = arith.addi %mul3A_616, %add3A_617 : i32
        %mul3A_619 = arith.constant 3 : i32
        %mul3A_620 = arith.muli %scan3A_14, %mul3A_619 : i32
        %add3A_621 = arith.constant 0 : i32
        %add3A_622 = arith.addi %mul3A_620, %add3A_621 : i32
        %mul3A_623 = arith.constant 32 : i32
        %mul3A_624 = arith.muli %add3A_622, %mul3A_623 : i32
        %add3A_625 = arith.addi %mul3A_624, %add3A : i32
        %mul3A_626 = arith.constant 100352 : i32
        %mul3A_627 = arith.muli %add3A_625, %mul3A_626 : i32
        %multiple_of3A_628 = tpu.assume_multiple %mul3A_627, 8 : i32
        %dma_wait3A_629 = arith.constant 0 : i32
        %dma_wait3A_630 = tpu.memref_slice %arg7[%dma_wait3A_629] : memref<30000xf32, #tpu.memory_space<vmem>> -> memref<10000xf32, #tpu.memory_space<vmem>>
        %dma_wait3A_631 = tpu.memref_slice %arg2[%multiple_of3A_628] : memref<48168960xf32, #tpu.memory_space<hbm>> -> memref<10000xf32, #tpu.memory_space<hbm>>
        %dma_wait3A_632 = arith.constant 0 : i32
        %dma_wait3A_633 = tpu.memref_slice %arg7[%dma_wait3A_632] : memref<30000xf32, #tpu.memory_space<vmem>> -> memref<10000xf32, #tpu.memory_space<vmem>>
        %dma_wait3A_634 = tpu.memref_slice %arg2[%multiple_of3A_628] : memref<48168960xf32, #tpu.memory_space<hbm>> -> memref<10000xf32, #tpu.memory_space<hbm>>
        tpu.wait_dma2 semaphore(%arg9 : memref<!tpu.dma_semaphore, #tpu.memory_space<semaphore_mem>>) src(%dma_wait3A_634 : memref<10000xf32, #tpu.memory_space<hbm>>) dst(%dma_wait3A_633 : memref<10000xf32, #tpu.memory_space<vmem>>)
        %mul3A_635 = arith.constant 3 : i32
        %mul3A_636 = arith.muli %scan3A_14, %mul3A_635 : i32
        %add3A_637 = arith.constant 1 : i32
        %add3A_638 = arith.addi %mul3A_636, %add3A_637 : i32
        %mul3A_639 = arith.constant 32 : i32
        %mul3A_640 = arith.muli %add3A_638, %mul3A_639 : i32
        %add3A_641 = arith.addi %mul3A_640, %add3A : i32
        %mul3A_642 = arith.constant 100352 : i32
        %mul3A_643 = arith.muli %add3A_641, %mul3A_642 : i32
        %multiple_of3A_644 = tpu.assume_multiple %mul3A_643, 8 : i32
        %dma_wait3A_645 = arith.constant 10000 : i32
        %dma_wait3A_646 = tpu.memref_slice %arg7[%dma_wait3A_645] : memref<30000xf32, #tpu.memory_space<vmem>> -> memref<10000xf32, #tpu.memory_space<vmem>>
        %dma_wait3A_647 = tpu.memref_slice %arg2[%multiple_of3A_644] : memref<48168960xf32, #tpu.memory_space<hbm>> -> memref<10000xf32, #tpu.memory_space<hbm>>
        %dma_wait3A_648 = arith.constant 10000 : i32
        %dma_wait3A_649 = tpu.memref_slice %arg7[%dma_wait3A_648] : memref<30000xf32, #tpu.memory_space<vmem>> -> memref<10000xf32, #tpu.memory_space<vmem>>
        %dma_wait3A_650 = tpu.memref_slice %arg2[%multiple_of3A_644] : memref<48168960xf32, #tpu.memory_space<hbm>> -> memref<10000xf32, #tpu.memory_space<hbm>>
        tpu.wait_dma2 semaphore(%arg9 : memref<!tpu.dma_semaphore, #tpu.memory_space<semaphore_mem>>) src(%dma_wait3A_650 : memref<10000xf32, #tpu.memory_space<hbm>>) dst(%dma_wait3A_649 : memref<10000xf32, #tpu.memory_space<vmem>>)
        %mul3A_651 = arith.constant 3 : i32
        %mul3A_652 = arith.muli %scan3A_14, %mul3A_651 : i32
        %add3A_653 = arith.constant 2 : i32
        %add3A_654 = arith.addi %mul3A_652, %add3A_653 : i32
        %mul3A_655 = arith.constant 32 : i32
        %mul3A_656 = arith.muli %add3A_654, %mul3A_655 : i32
        %add3A_657 = arith.addi %mul3A_656, %add3A : i32
        %mul3A_658 = arith.constant 100352 : i32
        %mul3A_659 = arith.muli %add3A_657, %mul3A_658 : i32
        %multiple_of3A_660 = tpu.assume_multiple %mul3A_659, 8 : i32
        %dma_wait3A_661 = arith.constant 20000 : i32
        %dma_wait3A_662 = tpu.memref_slice %arg7[%dma_wait3A_661] : memref<30000xf32, #tpu.memory_space<vmem>> -> memref<10000xf32, #tpu.memory_space<vmem>>
        %dma_wait3A_663 = tpu.memref_slice %arg2[%multiple_of3A_660] : memref<48168960xf32, #tpu.memory_space<hbm>> -> memref<10000xf32, #tpu.memory_space<hbm>>
        %dma_wait3A_664 = arith.constant 20000 : i32
        %dma_wait3A_665 = tpu.memref_slice %arg7[%dma_wait3A_664] : memref<30000xf32, #tpu.memory_space<vmem>> -> memref<10000xf32, #tpu.memory_space<vmem>>
        %dma_wait3A_666 = tpu.memref_slice %arg2[%multiple_of3A_660] : memref<48168960xf32, #tpu.memory_space<hbm>> -> memref<10000xf32, #tpu.memory_space<hbm>>
        tpu.wait_dma2 semaphore(%arg9 : memref<!tpu.dma_semaphore, #tpu.memory_space<semaphore_mem>>) src(%dma_wait3A_666 : memref<10000xf32, #tpu.memory_space<hbm>>) dst(%dma_wait3A_665 : memref<10000xf32, #tpu.memory_space<vmem>>)
        %scan3A_667 = arith.constant 0 : i32
        %scan3A_668 = arith.constant 625 : i32
        %scan3A_669 = arith.addi %scan3A_667, %scan3A_668 : i32
        %scan3A_670 = arith.constant 1 : i32
        %scan3A_671:10 = scf.for %scan3A_689 = %scan3A_667 to %scan3A_669 step %scan3A_670 iter_args(%scan3A_690 = %scan3A_598#0, %scan3A_691 = %scan3A_598#1, %scan3A_692 = %scan3A_598#2, %scan3A_693 = %scan3A_598#3, %scan3A_694 = %scan3A_598#4, %scan3A_695 = %scan3A_598#5, %scan3A_696 = %scan3A_598#6, %scan3A_697 = %scan3A_598#7, %scan3A_698 = %scan3A_598#8, %scan3A_699 = %broadcast_in_dim3A_1) -> (vector<16xf32>, vector<16xf32>, vector<16xf32>, vector<16xf32>, vector<16xf32>, vector<16xf32>, vector<16xf32>, vector<16xf32>, vector<16xf32>, vector<16xf32>)  : i32 {
          %mul3A_700 = arith.constant 16 : i32
          %mul3A_701 = arith.muli %scan3A_689, %mul3A_700 : i32
          %get3A_702 = arith.index_cast %mul3A_701 : i32 to index
          %get3A_703 = tpu.vector_load %arg7[%get3A_702] {strides = array<i32>} : memref<30000xf32, #tpu.memory_space<vmem>>, vector<16xf32>,
          %mul3A_704 = arith.constant 16 : i32
          %mul3A_705 = arith.muli %scan3A_689, %mul3A_704 : i32
          %add3A_706 = arith.constant 10000 : i32
          %add3A_707 = arith.addi %add3A_706, %mul3A_705 : i32
          %get3A_708 = arith.index_cast %add3A_707 : i32 to index
          %get3A_709 = tpu.vector_load %arg7[%get3A_708] {strides = array<i32>} : memref<30000xf32, #tpu.memory_space<vmem>>, vector<16xf32>,
          %mul3A_710 = arith.constant 16 : i32
          %mul3A_711 = arith.muli %scan3A_689, %mul3A_710 : i32
          %add3A_712 = arith.constant 20000 : i32
          %add3A_713 = arith.addi %add3A_712, %mul3A_711 : i32
          %get3A_714 = arith.index_cast %add3A_713 : i32 to index
          %get3A_715 = tpu.vector_load %arg7[%get3A_714] {strides = array<i32>} : memref<30000xf32, #tpu.memory_space<vmem>>, vector<16xf32>,
          %exp3A_716 = math.exp %get3A_703 : vector<16xf32>
          %exp3A_717 = math.exp %get3A_709 : vector<16xf32>
          %exp3A_718 = math.exp %get3A_715 : vector<16xf32>
          %mul3A_719 = arith.mulf %exp3A_716, %exp3A_718 : vector<16xf32>
          %mul3A_720 = arith.mulf %mul3A_719, %exp3A_717 : vector<16xf32>
          %add3A_721 = arith.addf %get3A_703, %get3A_715 : vector<16xf32>
          %add3A_722 = arith.addf %scan3A_690, %exp3A_716 : vector<16xf32>
          %add3A_723 = arith.addf %scan3A_691, %exp3A_717 : vector<16xf32>
          %add3A_724 = arith.addf %scan3A_692, %exp3A_718 : vector<16xf32>
          %add3A_725 = arith.addf %scan3A_693, %mul3A_719 : vector<16xf32>
          %add3A_726 = arith.addf %scan3A_695, %mul3A_720 : vector<16xf32>
          %mul3A_727 = arith.mulf %mul3A_719, %add3A_721 : vector<16xf32>
          %add3A_728 = arith.addf %scan3A_694, %mul3A_727 : vector<16xf32>
          %mul3A_729 = arith.mulf %mul3A_720, %add3A_721 : vector<16xf32>
          %add3A_730 = arith.addf %scan3A_696, %mul3A_729 : vector<16xf32>
          %mul3A_731 = arith.mulf %exp3A_717, %get3A_709 : vector<16xf32>
          %add3A_732 = arith.addf %scan3A_697, %mul3A_731 : vector<16xf32>
          %mul3A_733 = arith.mulf %mul3A_720, %get3A_709 : vector<16xf32>
          %add3A_734 = arith.addf %scan3A_698, %mul3A_733 : vector<16xf32>
          %select_n3A_735 = arith.select %eq3A_50, %exp3A_717, %exp3A_718 : vector<16xi1>, vector<16xf32>
          %select_n3A_736 = arith.select %eq3A_46, %exp3A_716, %select_n3A_735 : vector<16xi1>, vector<16xf32>
          %add3A_737 = arith.addf %scan3A_699, %select_n3A_736 : vector<16xf32>
          scf.yield %add3A_722, %add3A_723, %add3A_724, %add3A_725, %add3A_728, %add3A_726, %add3A_730, %add3A_732, %add3A_734, %add3A_737 : vector<16xf32>, vector<16xf32>, vector<16xf32>, vector<16xf32>, vector<16xf32>, vector<16xf32>, vector<16xf32>, vector<16xf32>, vector<16xf32>, vector<16xf32>
        }
        %scan3A_672 = arith.constant 625 : i32
        %broadcast_in_dim3A_673 = vector.broadcast %add3A_618 : i32 to vector<16xi32>
        %eq3A_674 = arith.cmpi eq, %iota3A, %broadcast_in_dim3A_673 : vector<16xi32>
        %reduce_sum3A_675 = arith.constant true
        %reduce_sum3A_676 = vector.broadcast %reduce_sum3A_675 : i1 to vector<16xi1>
        %reduce_sum3A_677 = tpu.scan <sum>, %scan3A_671#9 masked %reduce_sum3A_676 : vector<16xf32>, vector<16xi1> -> vector<16xf32>
        %reduce_sum3A_678 = vector.extract %reduce_sum3A_677[15] : f32 from vector<16xf32>
        %broadcast_in_dim3A_679 = vector.broadcast %reduce_sum3A_678 : f32 to vector<16xf32>
        %select_n3A_680 = arith.select %eq3A_674, %broadcast_in_dim3A_679, %broadcast_in_dim3A_1 : vector<16xi1>, vector<16xf32>
        %add3A_681 = arith.addf %add3A_608, %select_n3A_680 : vector<16xf32>
        %add3A_682 = arith.constant 2 : i32
        %add3A_683 = arith.addi %add3A_618, %add3A_682 : i32
        %lt3A_684 = arith.constant 10 : i32
        %lt3A_685 = arith.cmpi slt, %add3A_683, %lt3A_684 : i32
        %convert_element_type3A_686 = arith.extui %lt3A_685 : i1 to i32
        %cond3A_687 = arith.constant 0 : i32
        %cond3A_688 = arith.cmpi ne, %convert_element_type3A_686, %cond3A_687 : i32
        scf.if %cond3A_688 {
          %add3A_689 = arith.constant 2 : i32
          %add3A_690 = arith.addi %add3A_618, %add3A_689 : i32
          %mul3A_691 = arith.constant 10000 : i32
          %mul3A_692 = arith.muli %add3A_690, %mul3A_691 : i32
          %multiple_of3A_693 = tpu.assume_multiple %mul3A_692, 8 : i32
          %mul3A_694 = arith.constant 3 : i32
          %mul3A_695 = arith.muli %scan3A_14, %mul3A_694 : i32
          %add3A_696 = arith.constant 0 : i32
          %add3A_697 = arith.addi %mul3A_695, %add3A_696 : i32
          %mul3A_698 = arith.constant 32 : i32
          %mul3A_699 = arith.muli %add3A_697, %mul3A_698 : i32
          %add3A_700 = arith.addi %mul3A_699, %add3A : i32
          %mul3A_701 = arith.constant 100352 : i32
          %mul3A_702 = arith.muli %add3A_700, %mul3A_701 : i32
          %multiple_of3A_703 = tpu.assume_multiple %mul3A_702, 8 : i32
          %add3A_704 = arith.addi %multiple_of3A_703, %multiple_of3A_693 : i32
          %dma_start3A_705 = arith.constant 0 : i32
          %dma_start3A_706 = tpu.memref_slice %arg7[%dma_start3A_705] : memref<30000xf32, #tpu.memory_space<vmem>> -> memref<10000xf32, #tpu.memory_space<vmem>>
          %dma_start3A_707 = tpu.memref_slice %arg2[%add3A_704] : memref<48168960xf32, #tpu.memory_space<hbm>> -> memref<10000xf32, #tpu.memory_space<hbm>>
          %dma_start3A_708 = arith.constant 0 : i32
          %dma_start3A_709 = tpu.memref_slice %arg7[%dma_start3A_708] : memref<30000xf32, #tpu.memory_space<vmem>> -> memref<10000xf32, #tpu.memory_space<vmem>>
          %dma_start3A_710 = tpu.memref_slice %arg2[%add3A_704] : memref<48168960xf32, #tpu.memory_space<hbm>> -> memref<10000xf32, #tpu.memory_space<hbm>>
          tpu.enqueue_dma source(%dma_start3A_710 : memref<10000xf32, #tpu.memory_space<hbm>>) target(%dma_start3A_709 : memref<10000xf32, #tpu.memory_space<vmem>>) target_semaphore(%arg9 : memref<!tpu.dma_semaphore, #tpu.memory_space<semaphore_mem>>)
          %mul3A_711 = arith.constant 3 : i32
          %mul3A_712 = arith.muli %scan3A_14, %mul3A_711 : i32
          %add3A_713 = arith.constant 1 : i32
          %add3A_714 = arith.addi %mul3A_712, %add3A_713 : i32
          %mul3A_715 = arith.constant 32 : i32
          %mul3A_716 = arith.muli %add3A_714, %mul3A_715 : i32
          %add3A_717 = arith.addi %mul3A_716, %add3A : i32
          %mul3A_718 = arith.constant 100352 : i32
          %mul3A_719 = arith.muli %add3A_717, %mul3A_718 : i32
          %multiple_of3A_720 = tpu.assume_multiple %mul3A_719, 8 : i32
          %add3A_721 = arith.addi %multiple_of3A_720, %multiple_of3A_693 : i32
          %dma_start3A_722 = arith.constant 10000 : i32
          %dma_start3A_723 = tpu.memref_slice %arg7[%dma_start3A_722] : memref<30000xf32, #tpu.memory_space<vmem>> -> memref<10000xf32, #tpu.memory_space<vmem>>
          %dma_start3A_724 = tpu.memref_slice %arg2[%add3A_721] : memref<48168960xf32, #tpu.memory_space<hbm>> -> memref<10000xf32, #tpu.memory_space<hbm>>
          %dma_start3A_725 = arith.constant 10000 : i32
          %dma_start3A_726 = tpu.memref_slice %arg7[%dma_start3A_725] : memref<30000xf32, #tpu.memory_space<vmem>> -> memref<10000xf32, #tpu.memory_space<vmem>>
          %dma_start3A_727 = tpu.memref_slice %arg2[%add3A_721] : memref<48168960xf32, #tpu.memory_space<hbm>> -> memref<10000xf32, #tpu.memory_space<hbm>>
          tpu.enqueue_dma source(%dma_start3A_727 : memref<10000xf32, #tpu.memory_space<hbm>>) target(%dma_start3A_726 : memref<10000xf32, #tpu.memory_space<vmem>>) target_semaphore(%arg9 : memref<!tpu.dma_semaphore, #tpu.memory_space<semaphore_mem>>)
          %mul3A_728 = arith.constant 3 : i32
          %mul3A_729 = arith.muli %scan3A_14, %mul3A_728 : i32
          %add3A_730 = arith.constant 2 : i32
          %add3A_731 = arith.addi %mul3A_729, %add3A_730 : i32
          %mul3A_732 = arith.constant 32 : i32
          %mul3A_733 = arith.muli %add3A_731, %mul3A_732 : i32
          %add3A_734 = arith.addi %mul3A_733, %add3A : i32
          %mul3A_735 = arith.constant 100352 : i32
          %mul3A_736 = arith.muli %add3A_734, %mul3A_735 : i32
          %multiple_of3A_737 = tpu.assume_multiple %mul3A_736, 8 : i32
          %add3A_738 = arith.addi %multiple_of3A_737, %multiple_of3A_693 : i32
          %dma_start3A_739 = arith.constant 20000 : i32
          %dma_start3A_740 = tpu.memref_slice %arg7[%dma_start3A_739] : memref<30000xf32, #tpu.memory_space<vmem>> -> memref<10000xf32, #tpu.memory_space<vmem>>
          %dma_start3A_741 = tpu.memref_slice %arg2[%add3A_738] : memref<48168960xf32, #tpu.memory_space<hbm>> -> memref<10000xf32, #tpu.memory_space<hbm>>
          %dma_start3A_742 = arith.constant 20000 : i32
          %dma_start3A_743 = tpu.memref_slice %arg7[%dma_start3A_742] : memref<30000xf32, #tpu.memory_space<vmem>> -> memref<10000xf32, #tpu.memory_space<vmem>>
          %dma_start3A_744 = tpu.memref_slice %arg2[%add3A_738] : memref<48168960xf32, #tpu.memory_space<hbm>> -> memref<10000xf32, #tpu.memory_space<hbm>>
          tpu.enqueue_dma source(%dma_start3A_744 : memref<10000xf32, #tpu.memory_space<hbm>>) target(%dma_start3A_743 : memref<10000xf32, #tpu.memory_space<vmem>>) target_semaphore(%arg9 : memref<!tpu.dma_semaphore, #tpu.memory_space<semaphore_mem>>)
        } else {
        }
        scf.yield %scan3A_671#0, %scan3A_671#1, %scan3A_671#2, %scan3A_671#3, %scan3A_671#4, %scan3A_671#5, %scan3A_671#6, %scan3A_671#7, %scan3A_671#8, %add3A_681 : vector<16xf32>, vector<16xf32>, vector<16xf32>, vector<16xf32>, vector<16xf32>, vector<16xf32>, vector<16xf32>, vector<16xf32>, vector<16xf32>, vector<16xf32>
      }
      %scan3A_161 = arith.constant 5 : i32
      %swap3A = arith.constant 0 : index
      %swap3A_162 = tpu.vector_load %arg12[%swap3A] {strides = array<i32>} : memref<48xf32, #tpu.memory_space<vmem>>, vector<16xf32>,
      tpu.vector_store %arg12[%swap3A], %broadcast_in_dim3A_1 {strides = array<i32>} : memref<48xf32, #tpu.memory_space<vmem>>, vector<16xf32>,
      %swap3A_163 = arith.constant 16 : index
      %swap3A_164 = tpu.vector_load %arg12[%swap3A_163] {strides = array<i32>} : memref<48xf32, #tpu.memory_space<vmem>>, vector<16xf32>,
      tpu.vector_store %arg12[%swap3A_163], %broadcast_in_dim3A_1 {strides = array<i32>} : memref<48xf32, #tpu.memory_space<vmem>>, vector<16xf32>,
      %swap3A_165 = arith.constant 32 : index
      %swap3A_166 = tpu.vector_load %arg12[%swap3A_165] {strides = array<i32>} : memref<48xf32, #tpu.memory_space<vmem>>, vector<16xf32>,
      tpu.vector_store %arg12[%swap3A_165], %broadcast_in_dim3A_1 {strides = array<i32>} : memref<48xf32, #tpu.memory_space<vmem>>, vector<16xf32>,
      %mul3A_167 = arith.constant 3 : i32
      %mul3A_168 = arith.muli %scan3A_14, %mul3A_167 : i32
      %add3A_169 = arith.constant 0 : i32
      %add3A_170 = arith.addi %mul3A_168, %add3A_169 : i32
      %mul3A_171 = arith.constant 32 : i32
      %mul3A_172 = arith.muli %add3A_170, %mul3A_171 : i32
      %add3A_173 = arith.addi %mul3A_172, %add3A : i32
      %mul3A_174 = arith.constant 100352 : i32
      %mul3A_175 = arith.muli %add3A_173, %mul3A_174 : i32
      %multiple_of3A_176 = tpu.assume_multiple %mul3A_175, 8 : i32
      %add3A_177 = arith.constant 100001 : i32
      %add3A_178 = arith.addi %multiple_of3A_176, %add3A_177 : i32
      %sub3A = arith.constant 1 : i32
      %sub3A_179 = arith.subi %add3A_178, %sub3A : i32
      "tpu.region"() ({
        %run_scoped3A = tpu.sem_alloc : memref<!tpu.dma_semaphore, #tpu.memory_space<semaphore_mem>>
        %dma_start3A_534 = arith.constant 0 : i32
        %dma_start3A_535 = tpu.memref_slice %arg12[%dma_start3A_534] : memref<48xf32, #tpu.memory_space<vmem>> -> memref<1xf32, #tpu.memory_space<vmem>>
        %dma_start3A_536 = tpu.memref_slice %arg2[%sub3A_179] : memref<48168960xf32, #tpu.memory_space<hbm>> -> memref<1xf32, #tpu.memory_space<hbm>>
        %dma_start3A_537 = arith.constant 0 : i32
        %dma_start3A_538 = tpu.memref_slice %arg12[%dma_start3A_537] : memref<48xf32, #tpu.memory_space<vmem>> -> memref<1xf32, #tpu.memory_space<vmem>>
        %dma_start3A_539 = tpu.memref_slice %arg2[%sub3A_179] : memref<48168960xf32, #tpu.memory_space<hbm>> -> memref<1xf32, #tpu.memory_space<hbm>>
        tpu.enqueue_dma source(%dma_start3A_539 : memref<1xf32, #tpu.memory_space<hbm>>) target(%dma_start3A_538 : memref<1xf32, #tpu.memory_space<vmem>>) target_semaphore(%run_scoped3A : memref<!tpu.dma_semaphore, #tpu.memory_space<semaphore_mem>>)
        %dma_wait3A = arith.constant 0 : i32
        %dma_wait3A_540 = tpu.memref_slice %arg12[%dma_wait3A] : memref<48xf32, #tpu.memory_space<vmem>> -> memref<1xf32, #tpu.memory_space<vmem>>
        %dma_wait3A_541 = tpu.memref_slice %arg2[%sub3A_179] : memref<48168960xf32, #tpu.memory_space<hbm>> -> memref<1xf32, #tpu.memory_space<hbm>>
        %dma_wait3A_542 = arith.constant 0 : i32
        %dma_wait3A_543 = tpu.memref_slice %arg12[%dma_wait3A_542] : memref<48xf32, #tpu.memory_space<vmem>> -> memref<1xf32, #tpu.memory_space<vmem>>
        %dma_wait3A_544 = tpu.memref_slice %arg2[%sub3A_179] : memref<48168960xf32, #tpu.memory_space<hbm>> -> memref<1xf32, #tpu.memory_space<hbm>>
        tpu.wait_dma2 semaphore(%run_scoped3A : memref<!tpu.dma_semaphore, #tpu.memory_space<semaphore_mem>>) src(%dma_wait3A_544 : memref<1xf32, #tpu.memory_space<hbm>>) dst(%dma_wait3A_543 : memref<1xf32, #tpu.memory_space<vmem>>)
        tpu.yield
      }) : () -> ()
      %mul3A_180 = arith.constant 3 : i32
      %mul3A_181 = arith.muli %scan3A_14, %mul3A_180 : i32
      %add3A_182 = arith.constant 1 : i32
      %add3A_183 = arith.addi %mul3A_181, %add3A_182 : i32
      %mul3A_184 = arith.constant 32 : i32
      %mul3A_185 = arith.muli %add3A_183, %mul3A_184 : i32
      %add3A_186 = arith.addi %mul3A_185, %add3A : i32
      %mul3A_187 = arith.constant 100352 : i32
      %mul3A_188 = arith.muli %add3A_186, %mul3A_187 : i32
      %multiple_of3A_189 = tpu.assume_multiple %mul3A_188, 8 : i32
      %add3A_190 = arith.constant 100001 : i32
      %add3A_191 = arith.addi %multiple_of3A_189, %add3A_190 : i32
      %sub3A_192 = arith.constant 1 : i32
      %sub3A_193 = arith.subi %add3A_191, %sub3A_192 : i32
      "tpu.region"() ({
        %run_scoped3A = tpu.sem_alloc : memref<!tpu.dma_semaphore, #tpu.memory_space<semaphore_mem>>
        %dma_start3A_534 = arith.constant 16 : i32
        %dma_start3A_535 = tpu.memref_slice %arg12[%dma_start3A_534] : memref<48xf32, #tpu.memory_space<vmem>> -> memref<1xf32, #tpu.memory_space<vmem>>
        %dma_start3A_536 = tpu.memref_slice %arg2[%sub3A_193] : memref<48168960xf32, #tpu.memory_space<hbm>> -> memref<1xf32, #tpu.memory_space<hbm>>
        %dma_start3A_537 = arith.constant 16 : i32
        %dma_start3A_538 = tpu.memref_slice %arg12[%dma_start3A_537] : memref<48xf32, #tpu.memory_space<vmem>> -> memref<1xf32, #tpu.memory_space<vmem>>
        %dma_start3A_539 = tpu.memref_slice %arg2[%sub3A_193] : memref<48168960xf32, #tpu.memory_space<hbm>> -> memref<1xf32, #tpu.memory_space<hbm>>
        tpu.enqueue_dma source(%dma_start3A_539 : memref<1xf32, #tpu.memory_space<hbm>>) target(%dma_start3A_538 : memref<1xf32, #tpu.memory_space<vmem>>) target_semaphore(%run_scoped3A : memref<!tpu.dma_semaphore, #tpu.memory_space<semaphore_mem>>)
        %dma_wait3A = arith.constant 16 : i32
        %dma_wait3A_540 = tpu.memref_slice %arg12[%dma_wait3A] : memref<48xf32, #tpu.memory_space<vmem>> -> memref<1xf32, #tpu.memory_space<vmem>>
        %dma_wait3A_541 = tpu.memref_slice %arg2[%sub3A_193] : memref<48168960xf32, #tpu.memory_space<hbm>> -> memref<1xf32, #tpu.memory_space<hbm>>
        %dma_wait3A_542 = arith.constant 16 : i32
        %dma_wait3A_543 = tpu.memref_slice %arg12[%dma_wait3A_542] : memref<48xf32, #tpu.memory_space<vmem>> -> memref<1xf32, #tpu.memory_space<vmem>>
        %dma_wait3A_544 = tpu.memref_slice %arg2[%sub3A_193] : memref<48168960xf32, #tpu.memory_space<hbm>> -> memref<1xf32, #tpu.memory_space<hbm>>
        tpu.wait_dma2 semaphore(%run_scoped3A : memref<!tpu.dma_semaphore, #tpu.memory_space<semaphore_mem>>) src(%dma_wait3A_544 : memref<1xf32, #tpu.memory_space<hbm>>) dst(%dma_wait3A_543 : memref<1xf32, #tpu.memory_space<vmem>>)
        tpu.yield
      }) : () -> ()
      %mul3A_194 = arith.constant 3 : i32
      %mul3A_195 = arith.muli %scan3A_14, %mul3A_194 : i32
      %add3A_196 = arith.constant 2 : i32
      %add3A_197 = arith.addi %mul3A_195, %add3A_196 : i32
      %mul3A_198 = arith.constant 32 : i32
      %mul3A_199 = arith.muli %add3A_197, %mul3A_198 : i32
      %add3A_200 = arith.addi %mul3A_199, %add3A : i32
      %mul3A_201 = arith.constant 100352 : i32
      %mul3A_202 = arith.muli %add3A_200, %mul3A_201 : i32
      %multiple_of3A_203 = tpu.assume_multiple %mul3A_202, 8 : i32
      %add3A_204 = arith.constant 100001 : i32
      %add3A_205 = arith.addi %multiple_of3A_203, %add3A_204 : i32
      %sub3A_206 = arith.constant 1 : i32
      %sub3A_207 = arith.subi %add3A_205, %sub3A_206 : i32
      "tpu.region"() ({
        %run_scoped3A = tpu.sem_alloc : memref<!tpu.dma_semaphore, #tpu.memory_space<semaphore_mem>>
        %dma_start3A_534 = arith.constant 32 : i32
        %dma_start3A_535 = tpu.memref_slice %arg12[%dma_start3A_534] : memref<48xf32, #tpu.memory_space<vmem>> -> memref<1xf32, #tpu.memory_space<vmem>>
        %dma_start3A_536 = tpu.memref_slice %arg2[%sub3A_207] : memref<48168960xf32, #tpu.memory_space<hbm>> -> memref<1xf32, #tpu.memory_space<hbm>>
        %dma_start3A_537 = arith.constant 32 : i32
        %dma_start3A_538 = tpu.memref_slice %arg12[%dma_start3A_537] : memref<48xf32, #tpu.memory_space<vmem>> -> memref<1xf32, #tpu.memory_space<vmem>>
        %dma_start3A_539 = tpu.memref_slice %arg2[%sub3A_207] : memref<48168960xf32, #tpu.memory_space<hbm>> -> memref<1xf32, #tpu.memory_space<hbm>>
        tpu.enqueue_dma source(%dma_start3A_539 : memref<1xf32, #tpu.memory_space<hbm>>) target(%dma_start3A_538 : memref<1xf32, #tpu.memory_space<vmem>>) target_semaphore(%run_scoped3A : memref<!tpu.dma_semaphore, #tpu.memory_space<semaphore_mem>>)
        %dma_wait3A = arith.constant 32 : i32
        %dma_wait3A_540 = tpu.memref_slice %arg12[%dma_wait3A] : memref<48xf32, #tpu.memory_space<vmem>> -> memref<1xf32, #tpu.memory_space<vmem>>
        %dma_wait3A_541 = tpu.memref_slice %arg2[%sub3A_207] : memref<48168960xf32, #tpu.memory_space<hbm>> -> memref<1xf32, #tpu.memory_space<hbm>>
        %dma_wait3A_542 = arith.constant 32 : i32
        %dma_wait3A_543 = tpu.memref_slice %arg12[%dma_wait3A_542] : memref<48xf32, #tpu.memory_space<vmem>> -> memref<1xf32, #tpu.memory_space<vmem>>
        %dma_wait3A_544 = tpu.memref_slice %arg2[%sub3A_207] : memref<48168960xf32, #tpu.memory_space<hbm>> -> memref<1xf32, #tpu.memory_space<hbm>>
        tpu.wait_dma2 semaphore(%run_scoped3A : memref<!tpu.dma_semaphore, #tpu.memory_space<semaphore_mem>>) src(%dma_wait3A_544 : memref<1xf32, #tpu.memory_space<hbm>>) dst(%dma_wait3A_543 : memref<1xf32, #tpu.memory_space<vmem>>)
        tpu.yield
      }) : () -> ()
      %get3A_208 = arith.constant 0 : index
      %get3A_209 = tpu.vector_load %arg12[%get3A_208] {strides = array<i32>} : memref<48xf32, #tpu.memory_space<vmem>>, vector<16xf32>,
      %get3A_210 = arith.constant 16 : index
      %get3A_211 = tpu.vector_load %arg12[%get3A_210] {strides = array<i32>} : memref<48xf32, #tpu.memory_space<vmem>>, vector<16xf32>,
      %get3A_212 = arith.constant 32 : index
      %get3A_213 = tpu.vector_load %arg12[%get3A_212] {strides = array<i32>} : memref<48xf32, #tpu.memory_space<vmem>>, vector<16xf32>,
      %eq3A_214 = arith.constant 0 : i32
      %eq3A_215 = vector.broadcast %eq3A_214 : i32 to vector<16xi32>
      %eq3A_216 = arith.cmpi eq, %iota3A, %eq3A_215 : vector<16xi32>
      %exp3A = math.exp %get3A_209 : vector<16xf32>
      %exp3A_217 = math.exp %get3A_211 : vector<16xf32>
      %exp3A_218 = math.exp %get3A_213 : vector<16xf32>
      %mul3A_219 = arith.mulf %exp3A, %exp3A_218 : vector<16xf32>
      %mul3A_220 = arith.mulf %mul3A_219, %exp3A_217 : vector<16xf32>
      %add3A_221 = arith.addf %get3A_209, %get3A_213 : vector<16xf32>
      %select_n3A_222 = arith.select %eq3A_216, %exp3A, %broadcast_in_dim3A_1 : vector<16xi1>, vector<16xf32>
      %add3A_223 = arith.addf %scan3A_160#0, %select_n3A_222 : vector<16xf32>
      %select_n3A_224 = arith.select %eq3A_216, %exp3A_217, %broadcast_in_dim3A_1 : vector<16xi1>, vector<16xf32>
      %add3A_225 = arith.addf %scan3A_160#1, %select_n3A_224 : vector<16xf32>
      %select_n3A_226 = arith.select %eq3A_216, %exp3A_218, %broadcast_in_dim3A_1 : vector<16xi1>, vector<16xf32>
      %add3A_227 = arith.addf %scan3A_160#2, %select_n3A_226 : vector<16xf32>
      %select_n3A_228 = arith.select %eq3A_216, %mul3A_219, %broadcast_in_dim3A_1 : vector<16xi1>, vector<16xf32>
      %add3A_229 = arith.addf %scan3A_160#3, %select_n3A_228 : vector<16xf32>
      %select_n3A_230 = arith.select %eq3A_216, %mul3A_220, %broadcast_in_dim3A_1 : vector<16xi1>, vector<16xf32>
      %add3A_231 = arith.addf %scan3A_160#5, %select_n3A_230 : vector<16xf32>
      %mul3A_232 = arith.mulf %mul3A_219, %add3A_221 : vector<16xf32>
      %select_n3A_233 = arith.select %eq3A_216, %mul3A_232, %broadcast_in_dim3A_1 : vector<16xi1>, vector<16xf32>
      %add3A_234 = arith.addf %scan3A_160#4, %select_n3A_233 : vector<16xf32>
      %mul3A_235 = arith.mulf %mul3A_220, %add3A_221 : vector<16xf32>
      %select_n3A_236 = arith.select %eq3A_216, %mul3A_235, %broadcast_in_dim3A_1 : vector<16xi1>, vector<16xf32>
      %add3A_237 = arith.addf %scan3A_160#6, %select_n3A_236 : vector<16xf32>
      %mul3A_238 = arith.mulf %exp3A_217, %get3A_211 : vector<16xf32>
      %select_n3A_239 = arith.select %eq3A_216, %mul3A_238, %broadcast_in_dim3A_1 : vector<16xi1>, vector<16xf32>
      %add3A_240 = arith.addf %scan3A_160#7, %select_n3A_239 : vector<16xf32>
      %mul3A_241 = arith.mulf %mul3A_220, %get3A_211 : vector<16xf32>
      %select_n3A_242 = arith.select %eq3A_216, %mul3A_241, %broadcast_in_dim3A_1 : vector<16xi1>, vector<16xf32>
      %add3A_243 = arith.addf %scan3A_160#8, %select_n3A_242 : vector<16xf32>
      %reduce_sum3A = arith.constant true
      %reduce_sum3A_244 = vector.broadcast %reduce_sum3A : i1 to vector<16xi1>
      %reduce_sum3A_245 = tpu.scan <sum>, %scan3A_160#9 masked %reduce_sum3A_244 : vector<16xf32>, vector<16xi1> -> vector<16xf32>
      %reduce_sum3A_246 = vector.extract %reduce_sum3A_245[15] : f32 from vector<16xf32>
      %broadcast_in_dim3A_247 = vector.broadcast %reduce_sum3A_246 : f32 to vector<16xf32>
      %mul3A_248 = arith.mulf %broadcast_in_dim3A_42, %broadcast_in_dim3A_247 : vector<16xf32>
      %broadcast_in_dim3A_249 = arith.constant true
      %broadcast_in_dim3A_250 = vector.broadcast %broadcast_in_dim3A_249 : i1 to vector<16xi1>
      %masked_cumsum3A = tpu.scan <sum>, %scan3A_160#9 masked %broadcast_in_dim3A_250 : vector<16xf32>, vector<16xi1> -> vector<16xf32>
      %lt3A_251 = arith.cmpf olt, %masked_cumsum3A, %mul3A_248 : vector<16xf32>
      %all_reduce_population_count3A = tpu.all_reduce %lt3A_251 {dim = 0 : i64, kind = #tpu.reduction_kind<sum>} : vector<16xi1> -> vector<16xi32>
      %broadcast_in_dim3A_252 = arith.constant 9 : i32
      %broadcast_in_dim3A_253 = vector.broadcast %broadcast_in_dim3A_252 : i32 to vector<16xi32>
      %min3A = arith.minsi %all_reduce_population_count3A, %broadcast_in_dim3A_253 : vector<16xi32>
      %reduce_max3A_254 = arith.constant true
      %reduce_max3A_255 = vector.broadcast %reduce_max3A_254 : i1 to vector<16xi1>
      %reduce_max3A_256 = arith.constant -2147483648 : i32
      %reduce_max3A_257 = vector.broadcast %reduce_max3A_256 : i32 to vector<16xi32>
      %reduce_max3A_258 = arith.xori %min3A, %reduce_max3A_257 : vector<16xi32>
      %reduce_max3A_259 = tpu.scan <max>, %reduce_max3A_258 masked %reduce_max3A_255 : vector<16xi32>, vector<16xi1> -> vector<16xi32>
      %reduce_max3A_260 = arith.xori %reduce_max3A_259, %reduce_max3A_257 : vector<16xi32>
      %reduce_max3A_261 = vector.extract %reduce_max3A_260[15] : i32 from vector<16xi32>
      %lt3A_262 = arith.cmpi slt, %iota3A, %min3A : vector<16xi32>
      %select_n3A_263 = arith.select %lt3A_262, %scan3A_160#9, %broadcast_in_dim3A_1 : vector<16xi1>, vector<16xf32>
      %reduce_sum3A_264 = arith.constant true
      %reduce_sum3A_265 = vector.broadcast %reduce_sum3A_264 : i1 to vector<16xi1>
      %reduce_sum3A_266 = tpu.scan <sum>, %select_n3A_263 masked %reduce_sum3A_265 : vector<16xf32>, vector<16xi1> -> vector<16xf32>
      %reduce_sum3A_267 = vector.extract %reduce_sum3A_266[15] : f32 from vector<16xf32>
      %broadcast_in_dim3A_268 = vector.broadcast %reduce_sum3A_267 : f32 to vector<16xf32>
      %mul3A_269 = arith.constant 3 : i32
      %mul3A_270 = arith.muli %scan3A_14, %mul3A_269 : i32
      %add3A_271 = arith.addi %mul3A_270, %reduce_max3A_35 : i32
      %mul3A_272 = arith.constant 32 : i32
      %mul3A_273 = arith.muli %add3A_271, %mul3A_272 : i32
      %add3A_274 = arith.addi %mul3A_273, %add3A : i32
      %mul3A_275 = arith.constant 100352 : i32
      %mul3A_276 = arith.muli %add3A_274, %mul3A_275 : i32
      %multiple_of3A_277 = tpu.assume_multiple %mul3A_276, 8 : i32
      %mul3A_278 = arith.constant 10000 : i32
      %mul3A_279 = arith.muli %reduce_max3A_261, %mul3A_278 : i32
      %multiple_of3A_280 = tpu.assume_multiple %mul3A_279, 8 : i32
      %add3A_281 = arith.addi %multiple_of3A_277, %multiple_of3A_280 : i32
      "tpu.region"() ({
        %run_scoped3A = tpu.sem_alloc : memref<!tpu.dma_semaphore, #tpu.memory_space<semaphore_mem>>
        %dma_start3A_534 = arith.constant 0 : i32
        %dma_start3A_535 = tpu.memref_slice %arg6[%dma_start3A_534] : memref<30000xf32, #tpu.memory_space<vmem>> -> memref<10000xf32, #tpu.memory_space<vmem>>
        %dma_start3A_536 = tpu.memref_slice %arg2[%add3A_281] : memref<48168960xf32, #tpu.memory_space<hbm>> -> memref<10000xf32, #tpu.memory_space<hbm>>
        %dma_start3A_537 = arith.constant 0 : i32
        %dma_start3A_538 = tpu.memref_slice %arg6[%dma_start3A_537] : memref<30000xf32, #tpu.memory_space<vmem>> -> memref<10000xf32, #tpu.memory_space<vmem>>
        %dma_start3A_539 = tpu.memref_slice %arg2[%add3A_281] : memref<48168960xf32, #tpu.memory_space<hbm>> -> memref<10000xf32, #tpu.memory_space<hbm>>
        tpu.enqueue_dma source(%dma_start3A_539 : memref<10000xf32, #tpu.memory_space<hbm>>) target(%dma_start3A_538 : memref<10000xf32, #tpu.memory_space<vmem>>) target_semaphore(%run_scoped3A : memref<!tpu.dma_semaphore, #tpu.memory_space<semaphore_mem>>)
        %dma_wait3A = arith.constant 0 : i32
        %dma_wait3A_540 = tpu.memref_slice %arg6[%dma_wait3A] : memref<30000xf32, #tpu.memory_space<vmem>> -> memref<10000xf32, #tpu.memory_space<vmem>>
        %dma_wait3A_541 = tpu.memref_slice %arg2[%add3A_281] : memref<48168960xf32, #tpu.memory_space<hbm>> -> memref<10000xf32, #tpu.memory_space<hbm>>
        %dma_wait3A_542 = arith.constant 0 : i32
        %dma_wait3A_543 = tpu.memref_slice %arg6[%dma_wait3A_542] : memref<30000xf32, #tpu.memory_space<vmem>> -> memref<10000xf32, #tpu.memory_space<vmem>>
        %dma_wait3A_544 = tpu.memref_slice %arg2[%add3A_281] : memref<48168960xf32, #tpu.memory_space<hbm>> -> memref<10000xf32, #tpu.memory_space<hbm>>
        tpu.wait_dma2 semaphore(%run_scoped3A : memref<!tpu.dma_semaphore, #tpu.memory_space<semaphore_mem>>) src(%dma_wait3A_544 : memref<10000xf32, #tpu.memory_space<hbm>>) dst(%dma_wait3A_543 : memref<10000xf32, #tpu.memory_space<vmem>>)
        tpu.yield
      }) : () -> ()
      %scan3A_282 = arith.constant 0 : i32
      %scan3A_283 = arith.constant 25 : i32
      %scan3A_284 = arith.addi %scan3A_282, %scan3A_283 : i32
      %scan3A_285 = arith.constant 1 : i32
      %scan3A_286:2 = scf.for %scan3A_534 = %scan3A_282 to %scan3A_284 step %scan3A_285 iter_args(%scan3A_535 = %broadcast_in_dim3A_1, %scan3A_536 = %broadcast_in_dim3A_1) -> (vector<16xf32>, vector<16xf32>)  : i32 {
        %scan3A_537 = arith.constant 0 : i32
        %scan3A_538 = arith.constant 25 : i32
        %scan3A_539 = arith.addi %scan3A_537, %scan3A_538 : i32
        %scan3A_540 = arith.constant 1 : i32
        %scan3A_541 = scf.for %scan3A_564 = %scan3A_537 to %scan3A_539 step %scan3A_540 iter_args(%scan3A_565 = %broadcast_in_dim3A_1) -> (vector<16xf32>)  : i32 {
          %mul3A_566 = arith.constant 25 : i32
          %mul3A_567 = arith.muli %scan3A_534, %mul3A_566 : i32
          %add3A_568 = arith.addi %mul3A_567, %scan3A_564 : i32
          %mul3A_569 = arith.constant 16 : i32
          %mul3A_570 = arith.muli %add3A_568, %mul3A_569 : i32
          %get3A_571 = arith.index_cast %mul3A_570 : i32 to index
          %get3A_572 = tpu.vector_load %arg6[%get3A_571] {strides = array<i32>} : memref<30000xf32, #tpu.memory_space<vmem>>, vector<16xf32>,
          %exp3A_573 = math.exp %get3A_572 : vector<16xf32>
          %add3A_574 = arith.addf %scan3A_565, %exp3A_573 : vector<16xf32>
          scf.yield %add3A_574 : vector<16xf32>
        }
        %scan3A_542 = arith.constant 25 : i32
        %reduce_sum3A_543 = arith.constant true
        %reduce_sum3A_544 = vector.broadcast %reduce_sum3A_543 : i1 to vector<16xi1>
        %reduce_sum3A_545 = tpu.scan <sum>, %scan3A_541 masked %reduce_sum3A_544 : vector<16xf32>, vector<16xi1> -> vector<16xf32>
        %reduce_sum3A_546 = vector.extract %reduce_sum3A_545[15] : f32 from vector<16xf32>
        %broadcast_in_dim3A_547 = vector.broadcast %reduce_sum3A_546 : f32 to vector<16xf32>
        %and3A_548 = arith.constant 15 : i32
        %and3A_549 = arith.andi %scan3A_534, %and3A_548 : i32
        %broadcast_in_dim3A_550 = vector.broadcast %and3A_549 : i32 to vector<16xi32>
        %eq3A_551 = arith.cmpi eq, %iota3A, %broadcast_in_dim3A_550 : vector<16xi32>
        %broadcast_in_dim3A_552 = vector.broadcast %scan3A_534 : i32 to vector<16xi32>
        %lt3A_553 = arith.constant 16 : i32
        %lt3A_554 = vector.broadcast %lt3A_553 : i32 to vector<16xi32>
        %lt3A_555 = arith.cmpi slt, %broadcast_in_dim3A_552, %lt3A_554 : vector<16xi32>
        %and3A_556 = arith.andi %eq3A_551, %lt3A_555 : vector<16xi1>
        %select_n3A_557 = arith.select %and3A_556, %broadcast_in_dim3A_547, %broadcast_in_dim3A_1 : vector<16xi1>, vector<16xf32>
        %add3A_558 = arith.addf %scan3A_535, %select_n3A_557 : vector<16xf32>
        %ge3A = arith.constant 16 : i32
        %ge3A_559 = vector.broadcast %ge3A : i32 to vector<16xi32>
        %ge3A_560 = arith.cmpi sge, %broadcast_in_dim3A_552, %ge3A_559 : vector<16xi32>
        %and3A_561 = arith.andi %eq3A_551, %ge3A_560 : vector<16xi1>
        %select_n3A_562 = arith.select %and3A_561, %broadcast_in_dim3A_547, %broadcast_in_dim3A_1 : vector<16xi1>, vector<16xf32>
        %add3A_563 = arith.addf %scan3A_536, %select_n3A_562 : vector<16xf32>
        scf.yield %add3A_558, %add3A_563 : vector<16xf32>, vector<16xf32>
      }
      %scan3A_287 = arith.constant 25 : i32
      %sub3A_288 = arith.subf %mul3A_248, %broadcast_in_dim3A_268 : vector<16xf32>
      %broadcast_in_dim3A_289 = arith.constant true
      %broadcast_in_dim3A_290 = vector.broadcast %broadcast_in_dim3A_289 : i1 to vector<16xi1>
      %masked_cumsum3A_291 = tpu.scan <sum>, %scan3A_286#0 masked %broadcast_in_dim3A_290 : vector<16xf32>, vector<16xi1> -> vector<16xf32>
      %broadcast_in_dim3A_292 = arith.constant true
      %broadcast_in_dim3A_293 = vector.broadcast %broadcast_in_dim3A_292 : i1 to vector<16xi1>
      %masked_cumsum3A_294 = tpu.scan <sum>, %scan3A_286#1 masked %broadcast_in_dim3A_293 : vector<16xf32>, vector<16xi1> -> vector<16xf32>
      %reduce_sum3A_295 = arith.constant true
      %reduce_sum3A_296 = vector.broadcast %reduce_sum3A_295 : i1 to vector<16xi1>
      %reduce_sum3A_297 = tpu.scan <sum>, %scan3A_286#0 masked %reduce_sum3A_296 : vector<16xf32>, vector<16xi1> -> vector<16xf32>
      %reduce_sum3A_298 = vector.extract %reduce_sum3A_297[15] : f32 from vector<16xf32>
      %broadcast_in_dim3A_299 = vector.broadcast %reduce_sum3A_298 : f32 to vector<16xf32>
      %add3A_300 = arith.addf %masked_cumsum3A_294, %broadcast_in_dim3A_299 : vector<16xf32>
      %lt3A_301 = arith.cmpf olt, %masked_cumsum3A_291, %sub3A_288 : vector<16xf32>
      %all_reduce_population_count3A_302 = tpu.all_reduce %lt3A_301 {dim = 0 : i64, kind = #tpu.reduction_kind<sum>} : vector<16xi1> -> vector<16xi32>
      %lt3A_303 = arith.cmpf olt, %add3A_300, %sub3A_288 : vector<16xf32>
      %all_reduce_population_count3A_304 = tpu.all_reduce %lt3A_303 {dim = 0 : i64, kind = #tpu.reduction_kind<sum>} : vector<16xi1> -> vector<16xi32>
      %add3A_305 = arith.addi %all_reduce_population_count3A_302, %all_reduce_population_count3A_304 : vector<16xi32>
      %broadcast_in_dim3A_306 = arith.constant 24 : i32
      %broadcast_in_dim3A_307 = vector.broadcast %broadcast_in_dim3A_306 : i32 to vector<16xi32>
      %min3A_308 = arith.minsi %add3A_305, %broadcast_in_dim3A_307 : vector<16xi32>
      %reduce_max3A_309 = arith.constant true
      %reduce_max3A_310 = vector.broadcast %reduce_max3A_309 : i1 to vector<16xi1>
      %reduce_max3A_311 = arith.constant -2147483648 : i32
      %reduce_max3A_312 = vector.broadcast %reduce_max3A_311 : i32 to vector<16xi32>
      %reduce_max3A_313 = arith.xori %min3A_308, %reduce_max3A_312 : vector<16xi32>
      %reduce_max3A_314 = tpu.scan <max>, %reduce_max3A_313 masked %reduce_max3A_310 : vector<16xi32>, vector<16xi1> -> vector<16xi32>
      %reduce_max3A_315 = arith.xori %reduce_max3A_314, %reduce_max3A_312 : vector<16xi32>
      %reduce_max3A_316 = vector.extract %reduce_max3A_315[15] : i32 from vector<16xi32>
      %lt3A_317 = arith.cmpi slt, %iota3A, %min3A_308 : vector<16xi32>
      %add3A_318 = arith.constant 16 : i32
      %add3A_319 = vector.broadcast %add3A_318 : i32 to vector<16xi32>
      %add3A_320 = arith.addi %iota3A, %add3A_319 : vector<16xi32>
      %lt3A_321 = arith.cmpi slt, %add3A_320, %min3A_308 : vector<16xi32>
      %select_n3A_322 = arith.select %lt3A_317, %scan3A_286#0, %broadcast_in_dim3A_1 : vector<16xi1>, vector<16xf32>
      %select_n3A_323 = arith.select %lt3A_321, %scan3A_286#1, %broadcast_in_dim3A_1 : vector<16xi1>, vector<16xf32>
      %add3A_324 = arith.addf %select_n3A_322, %select_n3A_323 : vector<16xf32>
      %reduce_sum3A_325 = arith.constant true
      %reduce_sum3A_326 = vector.broadcast %reduce_sum3A_325 : i1 to vector<16xi1>
      %reduce_sum3A_327 = tpu.scan <sum>, %add3A_324 masked %reduce_sum3A_326 : vector<16xf32>, vector<16xi1> -> vector<16xf32>
      %reduce_sum3A_328 = vector.extract %reduce_sum3A_327[15] : f32 from vector<16xf32>
      %broadcast_in_dim3A_329 = vector.broadcast %reduce_sum3A_328 : f32 to vector<16xf32>
      %add3A_330 = arith.addf %broadcast_in_dim3A_268, %broadcast_in_dim3A_329 : vector<16xf32>
      %scan3A_331 = arith.constant 0 : i32
      %scan3A_332 = arith.constant 25 : i32
      %scan3A_333 = arith.addi %scan3A_331, %scan3A_332 : i32
      %scan3A_334 = arith.constant 1 : i32
      %scan3A_335:2 = scf.for %scan3A_534 = %scan3A_331 to %scan3A_333 step %scan3A_334 iter_args(%scan3A_535 = %broadcast_in_dim3A_3, %scan3A_536 = %add3A_330) -> (vector<16xi32>, vector<16xf32>)  : i32 {
        %mul3A_537 = arith.constant 25 : i32
        %mul3A_538 = arith.muli %reduce_max3A_316, %mul3A_537 : i32
        %add3A_539 = arith.addi %mul3A_538, %scan3A_534 : i32
        %mul3A_540 = arith.constant 16 : i32
        %mul3A_541 = arith.muli %add3A_539, %mul3A_540 : i32
        %get3A_542 = arith.index_cast %mul3A_541 : i32 to index
        %get3A_543 = tpu.vector_load %arg6[%get3A_542] {strides = array<i32>} : memref<30000xf32, #tpu.memory_space<vmem>>, vector<16xf32>,
        %exp3A_544 = math.exp %get3A_543 : vector<16xf32>
        %broadcast_in_dim3A_545 = arith.constant true
        %broadcast_in_dim3A_546 = vector.broadcast %broadcast_in_dim3A_545 : i1 to vector<16xi1>
        %masked_cumsum3A_547 = tpu.scan <sum>, %exp3A_544 masked %broadcast_in_dim3A_546 : vector<16xf32>, vector<16xi1> -> vector<16xf32>
        %add3A_548 = arith.addf %scan3A_536, %masked_cumsum3A_547 : vector<16xf32>
        %lt3A_549 = arith.cmpf olt, %add3A_548, %mul3A_248 : vector<16xf32>
        %all_reduce_population_count3A_550 = tpu.all_reduce %lt3A_549 {dim = 0 : i64, kind = #tpu.reduction_kind<sum>} : vector<16xi1> -> vector<16xi32>
        %add3A_551 = arith.addi %scan3A_535, %all_reduce_population_count3A_550 : vector<16xi32>
        %reduce_sum3A_552 = arith.constant true
        %reduce_sum3A_553 = vector.broadcast %reduce_sum3A_552 : i1 to vector<16xi1>
        %reduce_sum3A_554 = tpu.scan <sum>, %exp3A_544 masked %reduce_sum3A_553 : vector<16xf32>, vector<16xi1> -> vector<16xf32>
        %reduce_sum3A_555 = vector.extract %reduce_sum3A_554[15] : f32 from vector<16xf32>
        %broadcast_in_dim3A_556 = vector.broadcast %reduce_sum3A_555 : f32 to vector<16xf32>
        %add3A_557 = arith.addf %scan3A_536, %broadcast_in_dim3A_556 : vector<16xf32>
        scf.yield %add3A_551, %add3A_557 : vector<16xi32>, vector<16xf32>
      }
      %scan3A_336 = arith.constant 25 : i32
      %mul3A_337 = arith.constant 10000 : i32
      %mul3A_338 = arith.muli %reduce_max3A_261, %mul3A_337 : i32
      %mul3A_339 = arith.constant 400 : i32
      %mul3A_340 = arith.muli %reduce_max3A_316, %mul3A_339 : i32
      %add3A_341 = arith.addi %mul3A_338, %mul3A_340 : i32
      %reduce_max3A_342 = arith.constant true
      %reduce_max3A_343 = vector.broadcast %reduce_max3A_342 : i1 to vector<16xi1>
      %reduce_max3A_344 = arith.constant -2147483648 : i32
      %reduce_max3A_345 = vector.broadcast %reduce_max3A_344 : i32 to vector<16xi32>
      %reduce_max3A_346 = arith.xori %scan3A_335#0, %reduce_max3A_345 : vector<16xi32>
      %reduce_max3A_347 = tpu.scan <max>, %reduce_max3A_346 masked %reduce_max3A_343 : vector<16xi32>, vector<16xi1> -> vector<16xi32>
      %reduce_max3A_348 = arith.xori %reduce_max3A_347, %reduce_max3A_345 : vector<16xi32>
      %reduce_max3A_349 = vector.extract %reduce_max3A_348[15] : i32 from vector<16xi32>
      %add3A_350 = arith.addi %add3A_341, %reduce_max3A_349 : i32
      %min3A_351 = arith.constant 99999 : i32
      %min3A_352 = arith.minsi %add3A_350, %min3A_351 : i32
      %and3A_353 = arith.constant -16 : i32
      %and3A_354 = arith.andi %min3A_352, %and3A_353 : i32
      %multiple_of3A_355 = tpu.assume_multiple %and3A_354, 8 : i32
      %sub3A_356 = arith.subi %min3A_352, %multiple_of3A_355 : i32
      %broadcast_in_dim3A_357 = vector.broadcast %sub3A_356 : i32 to vector<16xi32>
      %eq3A_358 = arith.cmpi eq, %iota3A, %broadcast_in_dim3A_357 : vector<16xi32>
      %mul3A_359 = arith.constant 3 : i32
      %mul3A_360 = arith.muli %scan3A_14, %mul3A_359 : i32
      %add3A_361 = arith.constant 0 : i32
      %add3A_362 = arith.addi %mul3A_360, %add3A_361 : i32
      %mul3A_363 = arith.constant 32 : i32
      %mul3A_364 = arith.muli %add3A_362, %mul3A_363 : i32
      %add3A_365 = arith.addi %mul3A_364, %add3A : i32
      %mul3A_366 = arith.constant 100352 : i32
      %mul3A_367 = arith.muli %add3A_365, %mul3A_366 : i32
      %multiple_of3A_368 = tpu.assume_multiple %mul3A_367, 8 : i32
      %add3A_369 = arith.addi %multiple_of3A_368, %multiple_of3A_355 : i32
      "tpu.region"() ({
        %run_scoped3A = tpu.sem_alloc : memref<!tpu.dma_semaphore, #tpu.memory_space<semaphore_mem>>
        %dma_start3A_534 = arith.constant 0 : i32
        %dma_start3A_535 = tpu.memref_slice %arg7[%dma_start3A_534] : memref<30000xf32, #tpu.memory_space<vmem>> -> memref<16xf32, #tpu.memory_space<vmem>>
        %dma_start3A_536 = tpu.memref_slice %arg2[%add3A_369] : memref<48168960xf32, #tpu.memory_space<hbm>> -> memref<16xf32, #tpu.memory_space<hbm>>
        %dma_start3A_537 = arith.constant 0 : i32
        %dma_start3A_538 = tpu.memref_slice %arg7[%dma_start3A_537] : memref<30000xf32, #tpu.memory_space<vmem>> -> memref<16xf32, #tpu.memory_space<vmem>>
        %dma_start3A_539 = tpu.memref_slice %arg2[%add3A_369] : memref<48168960xf32, #tpu.memory_space<hbm>> -> memref<16xf32, #tpu.memory_space<hbm>>
        tpu.enqueue_dma source(%dma_start3A_539 : memref<16xf32, #tpu.memory_space<hbm>>) target(%dma_start3A_538 : memref<16xf32, #tpu.memory_space<vmem>>) target_semaphore(%run_scoped3A : memref<!tpu.dma_semaphore, #tpu.memory_space<semaphore_mem>>)
        %dma_wait3A = arith.constant 0 : i32
        %dma_wait3A_540 = tpu.memref_slice %arg7[%dma_wait3A] : memref<30000xf32, #tpu.memory_space<vmem>> -> memref<16xf32, #tpu.memory_space<vmem>>
        %dma_wait3A_541 = tpu.memref_slice %arg2[%add3A_369] : memref<48168960xf32, #tpu.memory_space<hbm>> -> memref<16xf32, #tpu.memory_space<hbm>>
        %dma_wait3A_542 = arith.constant 0 : i32
        %dma_wait3A_543 = tpu.memref_slice %arg7[%dma_wait3A_542] : memref<30000xf32, #tpu.memory_space<vmem>> -> memref<16xf32, #tpu.memory_space<vmem>>
        %dma_wait3A_544 = tpu.memref_slice %arg2[%add3A_369] : memref<48168960xf32, #tpu.memory_space<hbm>> -> memref<16xf32, #tpu.memory_space<hbm>>
        tpu.wait_dma2 semaphore(%run_scoped3A : memref<!tpu.dma_semaphore, #tpu.memory_space<semaphore_mem>>) src(%dma_wait3A_544 : memref<16xf32, #tpu.memory_space<hbm>>) dst(%dma_wait3A_543 : memref<16xf32, #tpu.memory_space<vmem>>)
        tpu.yield
      }) : () -> ()
      %get3A_370 = arith.constant 0 : index
      %get3A_371 = tpu.vector_load %arg7[%get3A_370] {strides = array<i32>} : memref<30000xf32, #tpu.memory_space<vmem>>, vector<16xf32>,
      %select_n3A_372 = arith.select %eq3A_358, %get3A_371, %broadcast_in_dim3A_1 : vector<16xi1>, vector<16xf32>
      %reduce_sum3A_373 = arith.constant true
      %reduce_sum3A_374 = vector.broadcast %reduce_sum3A_373 : i1 to vector<16xi1>
      %reduce_sum3A_375 = tpu.scan <sum>, %select_n3A_372 masked %reduce_sum3A_374 : vector<16xf32>, vector<16xi1> -> vector<16xf32>
      %reduce_sum3A_376 = vector.extract %reduce_sum3A_375[15] : f32 from vector<16xf32>
      %mul3A_377 = arith.constant 3 : i32
      %mul3A_378 = arith.muli %scan3A_14, %mul3A_377 : i32
      %add3A_379 = arith.constant 1 : i32
      %add3A_380 = arith.addi %mul3A_378, %add3A_379 : i32
      %mul3A_381 = arith.constant 32 : i32
      %mul3A_382 = arith.muli %add3A_380, %mul3A_381 : i32
      %add3A_383 = arith.addi %mul3A_382, %add3A : i32
      %mul3A_384 = arith.constant 100352 : i32
      %mul3A_385 = arith.muli %add3A_383, %mul3A_384 : i32
      %multiple_of3A_386 = tpu.assume_multiple %mul3A_385, 8 : i32
      %add3A_387 = arith.addi %multiple_of3A_386, %multiple_of3A_355 : i32
      "tpu.region"() ({
        %run_scoped3A = tpu.sem_alloc : memref<!tpu.dma_semaphore, #tpu.memory_space<semaphore_mem>>
        %dma_start3A_534 = arith.constant 0 : i32
        %dma_start3A_535 = tpu.memref_slice %arg7[%dma_start3A_534] : memref<30000xf32, #tpu.memory_space<vmem>> -> memref<16xf32, #tpu.memory_space<vmem>>
        %dma_start3A_536 = tpu.memref_slice %arg2[%add3A_387] : memref<48168960xf32, #tpu.memory_space<hbm>> -> memref<16xf32, #tpu.memory_space<hbm>>
        %dma_start3A_537 = arith.constant 0 : i32
        %dma_start3A_538 = tpu.memref_slice %arg7[%dma_start3A_537] : memref<30000xf32, #tpu.memory_space<vmem>> -> memref<16xf32, #tpu.memory_space<vmem>>
        %dma_start3A_539 = tpu.memref_slice %arg2[%add3A_387] : memref<48168960xf32, #tpu.memory_space<hbm>> -> memref<16xf32, #tpu.memory_space<hbm>>
        tpu.enqueue_dma source(%dma_start3A_539 : memref<16xf32, #tpu.memory_space<hbm>>) target(%dma_start3A_538 : memref<16xf32, #tpu.memory_space<vmem>>) target_semaphore(%run_scoped3A : memref<!tpu.dma_semaphore, #tpu.memory_space<semaphore_mem>>)
        %dma_wait3A = arith.constant 0 : i32
        %dma_wait3A_540 = tpu.memref_slice %arg7[%dma_wait3A] : memref<30000xf32, #tpu.memory_space<vmem>> -> memref<16xf32, #tpu.memory_space<vmem>>
        %dma_wait3A_541 = tpu.memref_slice %arg2[%add3A_387] : memref<48168960xf32, #tpu.memory_space<hbm>> -> memref<16xf32, #tpu.memory_space<hbm>>
        %dma_wait3A_542 = arith.constant 0 : i32
        %dma_wait3A_543 = tpu.memref_slice %arg7[%dma_wait3A_542] : memref<30000xf32, #tpu.memory_space<vmem>> -> memref<16xf32, #tpu.memory_space<vmem>>
        %dma_wait3A_544 = tpu.memref_slice %arg2[%add3A_387] : memref<48168960xf32, #tpu.memory_space<hbm>> -> memref<16xf32, #tpu.memory_space<hbm>>
        tpu.wait_dma2 semaphore(%run_scoped3A : memref<!tpu.dma_semaphore, #tpu.memory_space<semaphore_mem>>) src(%dma_wait3A_544 : memref<16xf32, #tpu.memory_space<hbm>>) dst(%dma_wait3A_543 : memref<16xf32, #tpu.memory_space<vmem>>)
        tpu.yield
      }) : () -> ()
      %get3A_388 = arith.constant 0 : index
      %get3A_389 = tpu.vector_load %arg7[%get3A_388] {strides = array<i32>} : memref<30000xf32, #tpu.memory_space<vmem>>, vector<16xf32>,
      %select_n3A_390 = arith.select %eq3A_358, %get3A_389, %broadcast_in_dim3A_1 : vector<16xi1>, vector<16xf32>
      %reduce_sum3A_391 = arith.constant true
      %reduce_sum3A_392 = vector.broadcast %reduce_sum3A_391 : i1 to vector<16xi1>
      %reduce_sum3A_393 = tpu.scan <sum>, %select_n3A_390 masked %reduce_sum3A_392 : vector<16xf32>, vector<16xi1> -> vector<16xf32>
      %reduce_sum3A_394 = vector.extract %reduce_sum3A_393[15] : f32 from vector<16xf32>
      %mul3A_395 = arith.constant 3 : i32
      %mul3A_396 = arith.muli %scan3A_14, %mul3A_395 : i32
      %add3A_397 = arith.constant 2 : i32
      %add3A_398 = arith.addi %mul3A_396, %add3A_397 : i32
      %mul3A_399 = arith.constant 32 : i32
      %mul3A_400 = arith.muli %add3A_398, %mul3A_399 : i32
      %add3A_401 = arith.addi %mul3A_400, %add3A : i32
      %mul3A_402 = arith.constant 100352 : i32
      %mul3A_403 = arith.muli %add3A_401, %mul3A_402 : i32
      %multiple_of3A_404 = tpu.assume_multiple %mul3A_403, 8 : i32
      %add3A_405 = arith.addi %multiple_of3A_404, %multiple_of3A_355 : i32
      "tpu.region"() ({
        %run_scoped3A = tpu.sem_alloc : memref<!tpu.dma_semaphore, #tpu.memory_space<semaphore_mem>>
        %dma_start3A_534 = arith.constant 0 : i32
        %dma_start3A_535 = tpu.memref_slice %arg7[%dma_start3A_534] : memref<30000xf32, #tpu.memory_space<vmem>> -> memref<16xf32, #tpu.memory_space<vmem>>
        %dma_start3A_536 = tpu.memref_slice %arg2[%add3A_405] : memref<48168960xf32, #tpu.memory_space<hbm>> -> memref<16xf32, #tpu.memory_space<hbm>>
        %dma_start3A_537 = arith.constant 0 : i32
        %dma_start3A_538 = tpu.memref_slice %arg7[%dma_start3A_537] : memref<30000xf32, #tpu.memory_space<vmem>> -> memref<16xf32, #tpu.memory_space<vmem>>
        %dma_start3A_539 = tpu.memref_slice %arg2[%add3A_405] : memref<48168960xf32, #tpu.memory_space<hbm>> -> memref<16xf32, #tpu.memory_space<hbm>>
        tpu.enqueue_dma source(%dma_start3A_539 : memref<16xf32, #tpu.memory_space<hbm>>) target(%dma_start3A_538 : memref<16xf32, #tpu.memory_space<vmem>>) target_semaphore(%run_scoped3A : memref<!tpu.dma_semaphore, #tpu.memory_space<semaphore_mem>>)
        %dma_wait3A = arith.constant 0 : i32
        %dma_wait3A_540 = tpu.memref_slice %arg7[%dma_wait3A] : memref<30000xf32, #tpu.memory_space<vmem>> -> memref<16xf32, #tpu.memory_space<vmem>>
        %dma_wait3A_541 = tpu.memref_slice %arg2[%add3A_405] : memref<48168960xf32, #tpu.memory_space<hbm>> -> memref<16xf32, #tpu.memory_space<hbm>>
        %dma_wait3A_542 = arith.constant 0 : i32
        %dma_wait3A_543 = tpu.memref_slice %arg7[%dma_wait3A_542] : memref<30000xf32, #tpu.memory_space<vmem>> -> memref<16xf32, #tpu.memory_space<vmem>>
        %dma_wait3A_544 = tpu.memref_slice %arg2[%add3A_405] : memref<48168960xf32, #tpu.memory_space<hbm>> -> memref<16xf32, #tpu.memory_space<hbm>>
        tpu.wait_dma2 semaphore(%run_scoped3A : memref<!tpu.dma_semaphore, #tpu.memory_space<semaphore_mem>>) src(%dma_wait3A_544 : memref<16xf32, #tpu.memory_space<hbm>>) dst(%dma_wait3A_543 : memref<16xf32, #tpu.memory_space<vmem>>)
        tpu.yield
      }) : () -> ()
      %get3A_406 = arith.constant 0 : index
      %get3A_407 = tpu.vector_load %arg7[%get3A_406] {strides = array<i32>} : memref<30000xf32, #tpu.memory_space<vmem>>, vector<16xf32>,
      %select_n3A_408 = arith.select %eq3A_358, %get3A_407, %broadcast_in_dim3A_1 : vector<16xi1>, vector<16xf32>
      %reduce_sum3A_409 = arith.constant true
      %reduce_sum3A_410 = vector.broadcast %reduce_sum3A_409 : i1 to vector<16xi1>
      %reduce_sum3A_411 = tpu.scan <sum>, %select_n3A_408 masked %reduce_sum3A_410 : vector<16xf32>, vector<16xi1> -> vector<16xf32>
      %reduce_sum3A_412 = vector.extract %reduce_sum3A_411[15] : f32 from vector<16xf32>
      %reduce_sum3A_413 = arith.constant true
      %reduce_sum3A_414 = vector.broadcast %reduce_sum3A_413 : i1 to vector<16xi1>
      %reduce_sum3A_415 = tpu.scan <sum>, %add3A_223 masked %reduce_sum3A_414 : vector<16xf32>, vector<16xi1> -> vector<16xf32>
      %reduce_sum3A_416 = vector.extract %reduce_sum3A_415[15] : f32 from vector<16xf32>
      %reduce_sum3A_417 = arith.constant true
      %reduce_sum3A_418 = vector.broadcast %reduce_sum3A_417 : i1 to vector<16xi1>
      %reduce_sum3A_419 = tpu.scan <sum>, %add3A_225 masked %reduce_sum3A_418 : vector<16xf32>, vector<16xi1> -> vector<16xf32>
      %reduce_sum3A_420 = vector.extract %reduce_sum3A_419[15] : f32 from vector<16xf32>
      %reduce_sum3A_421 = arith.constant true
      %reduce_sum3A_422 = vector.broadcast %reduce_sum3A_421 : i1 to vector<16xi1>
      %reduce_sum3A_423 = tpu.scan <sum>, %add3A_227 masked %reduce_sum3A_422 : vector<16xf32>, vector<16xi1> -> vector<16xf32>
      %reduce_sum3A_424 = vector.extract %reduce_sum3A_423[15] : f32 from vector<16xf32>
      %reduce_sum3A_425 = arith.constant true
      %reduce_sum3A_426 = vector.broadcast %reduce_sum3A_425 : i1 to vector<16xi1>
      %reduce_sum3A_427 = tpu.scan <sum>, %add3A_229 masked %reduce_sum3A_426 : vector<16xf32>, vector<16xi1> -> vector<16xf32>
      %reduce_sum3A_428 = vector.extract %reduce_sum3A_427[15] : f32 from vector<16xf32>
      %reduce_sum3A_429 = arith.constant true
      %reduce_sum3A_430 = vector.broadcast %reduce_sum3A_429 : i1 to vector<16xi1>
      %reduce_sum3A_431 = tpu.scan <sum>, %add3A_234 masked %reduce_sum3A_430 : vector<16xf32>, vector<16xi1> -> vector<16xf32>
      %reduce_sum3A_432 = vector.extract %reduce_sum3A_431[15] : f32 from vector<16xf32>
      %reduce_sum3A_433 = arith.constant true
      %reduce_sum3A_434 = vector.broadcast %reduce_sum3A_433 : i1 to vector<16xi1>
      %reduce_sum3A_435 = tpu.scan <sum>, %add3A_231 masked %reduce_sum3A_434 : vector<16xf32>, vector<16xi1> -> vector<16xf32>
      %reduce_sum3A_436 = vector.extract %reduce_sum3A_435[15] : f32 from vector<16xf32>
      %reduce_sum3A_437 = arith.constant true
      %reduce_sum3A_438 = vector.broadcast %reduce_sum3A_437 : i1 to vector<16xi1>
      %reduce_sum3A_439 = tpu.scan <sum>, %add3A_237 masked %reduce_sum3A_438 : vector<16xf32>, vector<16xi1> -> vector<16xf32>
      %reduce_sum3A_440 = vector.extract %reduce_sum3A_439[15] : f32 from vector<16xf32>
      %reduce_sum3A_441 = arith.constant true
      %reduce_sum3A_442 = vector.broadcast %reduce_sum3A_441 : i1 to vector<16xi1>
      %reduce_sum3A_443 = tpu.scan <sum>, %add3A_240 masked %reduce_sum3A_442 : vector<16xf32>, vector<16xi1> -> vector<16xf32>
      %reduce_sum3A_444 = vector.extract %reduce_sum3A_443[15] : f32 from vector<16xf32>
      %reduce_sum3A_445 = arith.constant true
      %reduce_sum3A_446 = vector.broadcast %reduce_sum3A_445 : i1 to vector<16xi1>
      %reduce_sum3A_447 = tpu.scan <sum>, %add3A_243 masked %reduce_sum3A_446 : vector<16xf32>, vector<16xi1> -> vector<16xf32>
      %reduce_sum3A_448 = vector.extract %reduce_sum3A_447[15] : f32 from vector<16xf32>
      %eq3A_449 = arith.constant 0 : i32
      %eq3A_450 = vector.broadcast %eq3A_449 : i32 to vector<16xi32>
      %eq3A_451 = arith.cmpi eq, %iota3A, %eq3A_450 : vector<16xi32>
      %broadcast_in_dim3A_452 = vector.broadcast %reduce_sum3A_416 : f32 to vector<16xf32>
      %select_n3A_453 = arith.select %eq3A_451, %broadcast_in_dim3A_452, %broadcast_in_dim3A_1 : vector<16xi1>, vector<16xf32>
      %add3A_454 = arith.addf %broadcast_in_dim3A_1, %select_n3A_453 : vector<16xf32>
      %eq3A_455 = arith.constant 1 : i32
      %eq3A_456 = vector.broadcast %eq3A_455 : i32 to vector<16xi32>
      %eq3A_457 = arith.cmpi eq, %iota3A, %eq3A_456 : vector<16xi32>
      %broadcast_in_dim3A_458 = vector.broadcast %reduce_sum3A_420 : f32 to vector<16xf32>
      %select_n3A_459 = arith.select %eq3A_457, %broadcast_in_dim3A_458, %broadcast_in_dim3A_1 : vector<16xi1>, vector<16xf32>
      %add3A_460 = arith.addf %add3A_454, %select_n3A_459 : vector<16xf32>
      %eq3A_461 = arith.constant 2 : i32
      %eq3A_462 = vector.broadcast %eq3A_461 : i32 to vector<16xi32>
      %eq3A_463 = arith.cmpi eq, %iota3A, %eq3A_462 : vector<16xi32>
      %broadcast_in_dim3A_464 = vector.broadcast %reduce_sum3A_424 : f32 to vector<16xf32>
      %select_n3A_465 = arith.select %eq3A_463, %broadcast_in_dim3A_464, %broadcast_in_dim3A_1 : vector<16xi1>, vector<16xf32>
      %add3A_466 = arith.addf %add3A_460, %select_n3A_465 : vector<16xf32>
      %eq3A_467 = arith.constant 3 : i32
      %eq3A_468 = vector.broadcast %eq3A_467 : i32 to vector<16xi32>
      %eq3A_469 = arith.cmpi eq, %iota3A, %eq3A_468 : vector<16xi32>
      %broadcast_in_dim3A_470 = vector.broadcast %reduce_sum3A_428 : f32 to vector<16xf32>
      %select_n3A_471 = arith.select %eq3A_469, %broadcast_in_dim3A_470, %broadcast_in_dim3A_1 : vector<16xi1>, vector<16xf32>
      %add3A_472 = arith.addf %add3A_466, %select_n3A_471 : vector<16xf32>
      %eq3A_473 = arith.constant 4 : i32
      %eq3A_474 = vector.broadcast %eq3A_473 : i32 to vector<16xi32>
      %eq3A_475 = arith.cmpi eq, %iota3A, %eq3A_474 : vector<16xi32>
      %broadcast_in_dim3A_476 = vector.broadcast %reduce_sum3A_432 : f32 to vector<16xf32>
      %select_n3A_477 = arith.select %eq3A_475, %broadcast_in_dim3A_476, %broadcast_in_dim3A_1 : vector<16xi1>, vector<16xf32>
      %add3A_478 = arith.addf %add3A_472, %select_n3A_477 : vector<16xf32>
      %eq3A_479 = arith.constant 5 : i32
      %eq3A_480 = vector.broadcast %eq3A_479 : i32 to vector<16xi32>
      %eq3A_481 = arith.cmpi eq, %iota3A, %eq3A_480 : vector<16xi32>
      %broadcast_in_dim3A_482 = vector.broadcast %reduce_sum3A_436 : f32 to vector<16xf32>
      %select_n3A_483 = arith.select %eq3A_481, %broadcast_in_dim3A_482, %broadcast_in_dim3A_1 : vector<16xi1>, vector<16xf32>
      %add3A_484 = arith.addf %add3A_478, %select_n3A_483 : vector<16xf32>
      %eq3A_485 = arith.constant 6 : i32
      %eq3A_486 = vector.broadcast %eq3A_485 : i32 to vector<16xi32>
      %eq3A_487 = arith.cmpi eq, %iota3A, %eq3A_486 : vector<16xi32>
      %broadcast_in_dim3A_488 = vector.broadcast %reduce_sum3A_440 : f32 to vector<16xf32>
      %select_n3A_489 = arith.select %eq3A_487, %broadcast_in_dim3A_488, %broadcast_in_dim3A_1 : vector<16xi1>, vector<16xf32>
      %add3A_490 = arith.addf %add3A_484, %select_n3A_489 : vector<16xf32>
      %eq3A_491 = arith.constant 7 : i32
      %eq3A_492 = vector.broadcast %eq3A_491 : i32 to vector<16xi32>
      %eq3A_493 = arith.cmpi eq, %iota3A, %eq3A_492 : vector<16xi32>
      %broadcast_in_dim3A_494 = vector.broadcast %reduce_sum3A_444 : f32 to vector<16xf32>
      %select_n3A_495 = arith.select %eq3A_493, %broadcast_in_dim3A_494, %broadcast_in_dim3A_1 : vector<16xi1>, vector<16xf32>
      %add3A_496 = arith.addf %add3A_490, %select_n3A_495 : vector<16xf32>
      %eq3A_497 = arith.constant 8 : i32
      %eq3A_498 = vector.broadcast %eq3A_497 : i32 to vector<16xi32>
      %eq3A_499 = arith.cmpi eq, %iota3A, %eq3A_498 : vector<16xi32>
      %broadcast_in_dim3A_500 = vector.broadcast %reduce_sum3A_448 : f32 to vector<16xf32>
      %select_n3A_501 = arith.select %eq3A_499, %broadcast_in_dim3A_500, %broadcast_in_dim3A_1 : vector<16xi1>, vector<16xf32>
      %add3A_502 = arith.addf %add3A_496, %select_n3A_501 : vector<16xf32>
      %eq3A_503 = arith.constant 9 : i32
      %eq3A_504 = vector.broadcast %eq3A_503 : i32 to vector<16xi32>
      %eq3A_505 = arith.cmpi eq, %iota3A, %eq3A_504 : vector<16xi32>
      %broadcast_in_dim3A_506 = vector.broadcast %reduce_sum3A_376 : f32 to vector<16xf32>
      %select_n3A_507 = arith.select %eq3A_505, %broadcast_in_dim3A_506, %broadcast_in_dim3A_1 : vector<16xi1>, vector<16xf32>
      %add3A_508 = arith.addf %add3A_502, %select_n3A_507 : vector<16xf32>
      %eq3A_509 = arith.constant 10 : i32
      %eq3A_510 = vector.broadcast %eq3A_509 : i32 to vector<16xi32>
      %eq3A_511 = arith.cmpi eq, %iota3A, %eq3A_510 : vector<16xi32>
      %broadcast_in_dim3A_512 = vector.broadcast %reduce_sum3A_394 : f32 to vector<16xf32>
      %select_n3A_513 = arith.select %eq3A_511, %broadcast_in_dim3A_512, %broadcast_in_dim3A_1 : vector<16xi1>, vector<16xf32>
      %add3A_514 = arith.addf %add3A_508, %select_n3A_513 : vector<16xf32>
      %eq3A_515 = arith.constant 11 : i32
      %eq3A_516 = vector.broadcast %eq3A_515 : i32 to vector<16xi32>
      %eq3A_517 = arith.cmpi eq, %iota3A, %eq3A_516 : vector<16xi32>
      %broadcast_in_dim3A_518 = vector.broadcast %reduce_sum3A_412 : f32 to vector<16xf32>
      %select_n3A_519 = arith.select %eq3A_517, %broadcast_in_dim3A_518, %broadcast_in_dim3A_1 : vector<16xi1>, vector<16xf32>
      %add3A_520 = arith.addf %add3A_514, %select_n3A_519 : vector<16xf32>
      %eq3A_521 = arith.constant 12 : i32
      %eq3A_522 = vector.broadcast %eq3A_521 : i32 to vector<16xi32>
      %eq3A_523 = arith.cmpi eq, %iota3A, %eq3A_522 : vector<16xi32>
      %broadcast_in_dim3A_524 = vector.broadcast %min3A_352 : i32 to vector<16xi32>
      %convert_element_type3A = arith.sitofp %broadcast_in_dim3A_524 : vector<16xi32> to vector<16xf32>
      %select_n3A_525 = arith.select %eq3A_523, %convert_element_type3A, %broadcast_in_dim3A_1 : vector<16xi1>, vector<16xf32>
      %add3A_526 = arith.addf %add3A_520, %select_n3A_525 : vector<16xf32>
      %swap3A_527 = arith.constant 0 : index
      %swap3A_528 = tpu.vector_load %arg13[%swap3A_527] {strides = array<i32>} : memref<16xf32, #tpu.memory_space<vmem>>, vector<16xf32>,
      tpu.vector_store %arg13[%swap3A_527], %add3A_526 {strides = array<i32>} : memref<16xf32, #tpu.memory_space<vmem>>, vector<16xf32>,
      %mul3A_529 = arith.constant 32 : i32
      %mul3A_530 = arith.muli %scan3A_14, %mul3A_529 : i32
      %add3A_531 = arith.addi %mul3A_530, %add3A : i32
      %mul3A_532 = arith.constant 16 : i32
      %mul3A_533 = arith.muli %add3A_531, %mul3A_532 : i32
      "tpu.region"() ({
        %run_scoped3A = tpu.sem_alloc : memref<!tpu.dma_semaphore, #tpu.memory_space<semaphore_mem>>
        %dma_start3A_534 = tpu.memref_slice %arg5[%mul3A_533] : memref<2560xf32, #tpu.memory_space<hbm>> -> memref<16xf32, #tpu.memory_space<hbm>>
        %dma_start3A_535 = tpu.memref_slice %arg5[%mul3A_533] : memref<2560xf32, #tpu.memory_space<hbm>> -> memref<16xf32, #tpu.memory_space<hbm>>
        tpu.enqueue_dma source(%arg13 : memref<16xf32, #tpu.memory_space<vmem>>) target(%dma_start3A_535 : memref<16xf32, #tpu.memory_space<hbm>>) target_semaphore(%run_scoped3A : memref<!tpu.dma_semaphore, #tpu.memory_space<semaphore_mem>>)
        %dma_wait3A = tpu.memref_slice %arg5[%mul3A_533] : memref<2560xf32, #tpu.memory_space<hbm>> -> memref<16xf32, #tpu.memory_space<hbm>>
        %dma_wait3A_536 = tpu.memref_slice %arg5[%mul3A_533] : memref<2560xf32, #tpu.memory_space<hbm>> -> memref<16xf32, #tpu.memory_space<hbm>>
        tpu.wait_dma2 semaphore(%run_scoped3A : memref<!tpu.dma_semaphore, #tpu.memory_space<semaphore_mem>>) src(%arg13 : memref<16xf32, #tpu.memory_space<vmem>>) dst(%dma_wait3A_536 : memref<16xf32, #tpu.memory_space<hbm>>)
        tpu.yield
      }) : () -> ()
    }
    %scan3A_13 = arith.constant 5 : i32
    return
  }
}

module attributes {stable_mosaic.version = 14 : i64} {
  func.func @_fmt_body(%arg0: i32, %arg1: memref<8x100001xf32, #tpu.memory_space<vmem>>, %arg2: memref<802816xf32, #tpu.memory_space<vmem>>) attributes {dimension_semantics = [#tpu.dimension_semantics<arbitrary>], iteration_bounds = array<i64: 60>, scalar_prefetch = 0 : i64, scratch_operands = 0 : i64, tpu.core_type = #tpu.core_type<tc>, window_params = [{transform_indices = @transform_0, window_bounds = array<i64: 8, 100001>}, {transform_indices = @transform_1, window_bounds = array<i64: 802816>}]} {
    %get3A = arith.constant 0 : index
    %get3A_0 = arith.constant 0 : index
    %get3A_1 = vector.load %arg1[%get3A, %get3A_0] : memref<8x100001xf32, #tpu.memory_space<vmem>>, vector<1x100001xf32>
    %get3A_2 = vector.shape_cast %get3A_1 : vector<1x100001xf32> to vector<100001xf32>
    %swap3A = arith.constant 0 : index
    %swap3A_3 = vector.load %arg2[%swap3A] : memref<802816xf32, #tpu.memory_space<vmem>>, vector<100001xf32>
    tpu.vector_store %arg2[%swap3A], %get3A_2 {strides = array<i32>} : memref<802816xf32, #tpu.memory_space<vmem>>, vector<100001xf32>,
    %get3A_4 = arith.constant 1 : index
    %get3A_5 = arith.constant 0 : index
    %get3A_6 = vector.load %arg1[%get3A_4, %get3A_5] : memref<8x100001xf32, #tpu.memory_space<vmem>>, vector<1x100001xf32>
    %get3A_7 = vector.shape_cast %get3A_6 : vector<1x100001xf32> to vector<100001xf32>
    %swap3A_8 = arith.constant 100352 : index
    %swap3A_9 = vector.load %arg2[%swap3A_8] : memref<802816xf32, #tpu.memory_space<vmem>>, vector<100001xf32>
    tpu.vector_store %arg2[%swap3A_8], %get3A_7 {strides = array<i32>} : memref<802816xf32, #tpu.memory_space<vmem>>, vector<100001xf32>,
    %get3A_10 = arith.constant 2 : index
    %get3A_11 = arith.constant 0 : index
    %get3A_12 = vector.load %arg1[%get3A_10, %get3A_11] : memref<8x100001xf32, #tpu.memory_space<vmem>>, vector<1x100001xf32>
    %get3A_13 = vector.shape_cast %get3A_12 : vector<1x100001xf32> to vector<100001xf32>
    %swap3A_14 = arith.constant 200704 : index
    %swap3A_15 = vector.load %arg2[%swap3A_14] : memref<802816xf32, #tpu.memory_space<vmem>>, vector<100001xf32>
    tpu.vector_store %arg2[%swap3A_14], %get3A_13 {strides = array<i32>} : memref<802816xf32, #tpu.memory_space<vmem>>, vector<100001xf32>,
    %get3A_16 = arith.constant 3 : index
    %get3A_17 = arith.constant 0 : index
    %get3A_18 = vector.load %arg1[%get3A_16, %get3A_17] : memref<8x100001xf32, #tpu.memory_space<vmem>>, vector<1x100001xf32>
    %get3A_19 = vector.shape_cast %get3A_18 : vector<1x100001xf32> to vector<100001xf32>
    %swap3A_20 = arith.constant 301056 : index
    %swap3A_21 = vector.load %arg2[%swap3A_20] : memref<802816xf32, #tpu.memory_space<vmem>>, vector<100001xf32>
    tpu.vector_store %arg2[%swap3A_20], %get3A_19 {strides = array<i32>} : memref<802816xf32, #tpu.memory_space<vmem>>, vector<100001xf32>,
    %get3A_22 = arith.constant 4 : index
    %get3A_23 = arith.constant 0 : index
    %get3A_24 = vector.load %arg1[%get3A_22, %get3A_23] : memref<8x100001xf32, #tpu.memory_space<vmem>>, vector<1x100001xf32>
    %get3A_25 = vector.shape_cast %get3A_24 : vector<1x100001xf32> to vector<100001xf32>
    %swap3A_26 = arith.constant 401408 : index
    %swap3A_27 = vector.load %arg2[%swap3A_26] : memref<802816xf32, #tpu.memory_space<vmem>>, vector<100001xf32>
    tpu.vector_store %arg2[%swap3A_26], %get3A_25 {strides = array<i32>} : memref<802816xf32, #tpu.memory_space<vmem>>, vector<100001xf32>,
    %get3A_28 = arith.constant 5 : index
    %get3A_29 = arith.constant 0 : index
    %get3A_30 = vector.load %arg1[%get3A_28, %get3A_29] : memref<8x100001xf32, #tpu.memory_space<vmem>>, vector<1x100001xf32>
    %get3A_31 = vector.shape_cast %get3A_30 : vector<1x100001xf32> to vector<100001xf32>
    %swap3A_32 = arith.constant 501760 : index
    %swap3A_33 = vector.load %arg2[%swap3A_32] : memref<802816xf32, #tpu.memory_space<vmem>>, vector<100001xf32>
    tpu.vector_store %arg2[%swap3A_32], %get3A_31 {strides = array<i32>} : memref<802816xf32, #tpu.memory_space<vmem>>, vector<100001xf32>,
    %get3A_34 = arith.constant 6 : index
    %get3A_35 = arith.constant 0 : index
    %get3A_36 = vector.load %arg1[%get3A_34, %get3A_35] : memref<8x100001xf32, #tpu.memory_space<vmem>>, vector<1x100001xf32>
    %get3A_37 = vector.shape_cast %get3A_36 : vector<1x100001xf32> to vector<100001xf32>
    %swap3A_38 = arith.constant 602112 : index
    %swap3A_39 = vector.load %arg2[%swap3A_38] : memref<802816xf32, #tpu.memory_space<vmem>>, vector<100001xf32>
    tpu.vector_store %arg2[%swap3A_38], %get3A_37 {strides = array<i32>} : memref<802816xf32, #tpu.memory_space<vmem>>, vector<100001xf32>,
    %get3A_40 = arith.constant 7 : index
    %get3A_41 = arith.constant 0 : index
    %get3A_42 = vector.load %arg1[%get3A_40, %get3A_41] : memref<8x100001xf32, #tpu.memory_space<vmem>>, vector<1x100001xf32>
    %get3A_43 = vector.shape_cast %get3A_42 : vector<1x100001xf32> to vector<100001xf32>
    %swap3A_44 = arith.constant 702464 : index
    %swap3A_45 = vector.load %arg2[%swap3A_44] : memref<802816xf32, #tpu.memory_space<vmem>>, vector<100001xf32>
    tpu.vector_store %arg2[%swap3A_44], %get3A_43 {strides = array<i32>} : memref<802816xf32, #tpu.memory_space<vmem>>, vector<100001xf32>,
    return
  }
  func.func @transform_0(%arg0: i32) -> (i32, i32) {
    %c0_i32 = arith.constant 0 : i32
    %c0_i32_0 = arith.constant 0 : i32
    return %arg0, %c0_i32 : i32, i32
  }
  func.func @transform_1(%arg0: i32) -> i32 {
    %c0_i32 = arith.constant 0 : i32
    return %arg0 : i32
  }
}

module attributes {stable_mosaic.version = 14 : i64} {
  func.func @_combine_body(%arg0: memref<5x32x16xf32, #tpu.memory_space<vmem>>, %arg1: memref<5x32xi32, #tpu.memory_space<vmem>>, %arg2: memref<1x1xf32, #tpu.memory_space<vmem>>) attributes {dimension_semantics = [], scalar_prefetch = 0 : i64, scratch_operands = 0 : i64, tpu.core_type = #tpu.core_type<tc>} {
    %broadcast_in_dim3A = arith.constant 0.000000e+00 : f32
    %broadcast_in_dim3A_0 = vector.broadcast %broadcast_in_dim3A : f32 to vector<32xf32>
    %broadcast_in_dim3A_1 = arith.constant 1.000000e+00 : f32
    %broadcast_in_dim3A_2 = vector.broadcast %broadcast_in_dim3A_1 : f32 to vector<32xf32>
    %broadcast_in_dim3A_3 = arith.constant 0.000000e+00 : f32
    %broadcast_in_dim3A_4 = vector.broadcast %broadcast_in_dim3A_3 : f32 to vector<32xf32>
    %get3A = arith.constant 0 : index
    %get3A_5 = arith.constant 0 : index
    %get3A_6 = arith.constant 0 : index
    %get3A_7 = vector.load %arg0[%get3A, %get3A_5, %get3A_6] : memref<5x32x16xf32, #tpu.memory_space<vmem>>, vector<1x32x16xf32>
    %get3A_8 = vector.shape_cast %get3A_7 : vector<1x32x16xf32> to vector<32x16xf32>
    %slice3A = vector.extract_strided_slice %get3A_8 {offsets = [0, 0], sizes = [32, 1], strides = [1, 1]} : vector<32x16xf32> to vector<32x1xf32>
    %squeeze3A = vector.shape_cast %slice3A : vector<32x1xf32> to vector<32xf32>
    %slice3A_9 = vector.extract_strided_slice %get3A_8 {offsets = [0, 1], sizes = [32, 1], strides = [1, 1]} : vector<32x16xf32> to vector<32x1xf32>
    %squeeze3A_10 = vector.shape_cast %slice3A_9 : vector<32x1xf32> to vector<32xf32>
    %slice3A_11 = vector.extract_strided_slice %get3A_8 {offsets = [0, 2], sizes = [32, 1], strides = [1, 1]} : vector<32x16xf32> to vector<32x1xf32>
    %squeeze3A_12 = vector.shape_cast %slice3A_11 : vector<32x1xf32> to vector<32xf32>
    %slice3A_13 = vector.extract_strided_slice %get3A_8 {offsets = [0, 3], sizes = [32, 1], strides = [1, 1]} : vector<32x16xf32> to vector<32x1xf32>
    %squeeze3A_14 = vector.shape_cast %slice3A_13 : vector<32x1xf32> to vector<32xf32>
    %slice3A_15 = vector.extract_strided_slice %get3A_8 {offsets = [0, 4], sizes = [32, 1], strides = [1, 1]} : vector<32x16xf32> to vector<32x1xf32>
    %squeeze3A_16 = vector.shape_cast %slice3A_15 : vector<32x1xf32> to vector<32xf32>
    %slice3A_17 = vector.extract_strided_slice %get3A_8 {offsets = [0, 5], sizes = [32, 1], strides = [1, 1]} : vector<32x16xf32> to vector<32x1xf32>
    %squeeze3A_18 = vector.shape_cast %slice3A_17 : vector<32x1xf32> to vector<32xf32>
    %slice3A_19 = vector.extract_strided_slice %get3A_8 {offsets = [0, 6], sizes = [32, 1], strides = [1, 1]} : vector<32x16xf32> to vector<32x1xf32>
    %squeeze3A_20 = vector.shape_cast %slice3A_19 : vector<32x1xf32> to vector<32xf32>
    %slice3A_21 = vector.extract_strided_slice %get3A_8 {offsets = [0, 7], sizes = [32, 1], strides = [1, 1]} : vector<32x16xf32> to vector<32x1xf32>
    %squeeze3A_22 = vector.shape_cast %slice3A_21 : vector<32x1xf32> to vector<32xf32>
    %slice3A_23 = vector.extract_strided_slice %get3A_8 {offsets = [0, 8], sizes = [32, 1], strides = [1, 1]} : vector<32x16xf32> to vector<32x1xf32>
    %squeeze3A_24 = vector.shape_cast %slice3A_23 : vector<32x1xf32> to vector<32xf32>
    %slice3A_25 = vector.extract_strided_slice %get3A_8 {offsets = [0, 9], sizes = [32, 1], strides = [1, 1]} : vector<32x16xf32> to vector<32x1xf32>
    %squeeze3A_26 = vector.shape_cast %slice3A_25 : vector<32x1xf32> to vector<32xf32>
    %slice3A_27 = vector.extract_strided_slice %get3A_8 {offsets = [0, 10], sizes = [32, 1], strides = [1, 1]} : vector<32x16xf32> to vector<32x1xf32>
    %squeeze3A_28 = vector.shape_cast %slice3A_27 : vector<32x1xf32> to vector<32xf32>
    %slice3A_29 = vector.extract_strided_slice %get3A_8 {offsets = [0, 11], sizes = [32, 1], strides = [1, 1]} : vector<32x16xf32> to vector<32x1xf32>
    %squeeze3A_30 = vector.shape_cast %slice3A_29 : vector<32x1xf32> to vector<32xf32>
    %get3A_31 = arith.constant 0 : index
    %get3A_32 = arith.constant 0 : index
    %get3A_33 = vector.load %arg1[%get3A_31, %get3A_32] : memref<5x32xi32, #tpu.memory_space<vmem>>, vector<1x32xi32>
    %get3A_34 = vector.shape_cast %get3A_33 : vector<1x32xi32> to vector<32xi32>
    %log3A = math.log %squeeze3A : vector<32xf32>
    %log3A_35 = math.log %squeeze3A_10 : vector<32xf32>
    %log3A_36 = math.log %squeeze3A_12 : vector<32xf32>
    %mul3A = arith.mulf %squeeze3A, %squeeze3A_12 : vector<32xf32>
    %mul3A_37 = arith.mulf %mul3A, %squeeze3A_10 : vector<32xf32>
    %div3A = arith.divf %squeeze3A_14, %mul3A : vector<32xf32>
    %add3A = arith.addf %log3A, %log3A_36 : vector<32xf32>
    %mul3A_38 = arith.mulf %add3A, %squeeze3A_14 : vector<32xf32>
    %sub3A = arith.subf %squeeze3A_16, %mul3A_38 : vector<32xf32>
    %div3A_39 = arith.divf %sub3A, %mul3A : vector<32xf32>
    %div3A_40 = arith.divf %squeeze3A_18, %mul3A_37 : vector<32xf32>
    %add3A_41 = arith.addf %log3A, %log3A_36 : vector<32xf32>
    %mul3A_42 = arith.mulf %add3A_41, %squeeze3A_18 : vector<32xf32>
    %sub3A_43 = arith.subf %squeeze3A_20, %mul3A_42 : vector<32xf32>
    %div3A_44 = arith.divf %sub3A_43, %mul3A_37 : vector<32xf32>
    %mul3A_45 = arith.mulf %log3A_35, %squeeze3A_10 : vector<32xf32>
    %sub3A_46 = arith.subf %squeeze3A_22, %mul3A_45 : vector<32xf32>
    %div3A_47 = arith.divf %sub3A_46, %squeeze3A_10 : vector<32xf32>
    %mul3A_48 = arith.mulf %log3A_35, %squeeze3A_18 : vector<32xf32>
    %sub3A_49 = arith.subf %squeeze3A_24, %mul3A_48 : vector<32xf32>
    %div3A_50 = arith.divf %sub3A_49, %mul3A_37 : vector<32xf32>
    %sub3A_51 = arith.subf %div3A, %div3A_40 : vector<32xf32>
    %mul3A_52 = arith.mulf %broadcast_in_dim3A_4, %sub3A_51 : vector<32xf32>
    %sub3A_53 = arith.subf %div3A_39, %div3A_44 : vector<32xf32>
    %add3A_54 = arith.addf %mul3A_52, %sub3A_53 : vector<32xf32>
    %mul3A_55 = arith.mulf %div3A, %div3A_47 : vector<32xf32>
    %sub3A_56 = arith.subf %mul3A_55, %div3A_50 : vector<32xf32>
    %add3A_57 = arith.addf %add3A_54, %sub3A_56 : vector<32xf32>
    %mul3A_58 = arith.mulf %broadcast_in_dim3A_2, %add3A_57 : vector<32xf32>
    %add3A_59 = arith.addf %broadcast_in_dim3A_0, %mul3A_58 : vector<32xf32>
    %sub3A_60 = arith.subf %squeeze3A_26, %log3A : vector<32xf32>
    %sub3A_61 = arith.subf %squeeze3A_28, %log3A_35 : vector<32xf32>
    %sub3A_62 = arith.subf %squeeze3A_30, %log3A_36 : vector<32xf32>
    %add3A_63 = arith.addf %broadcast_in_dim3A_4, %sub3A_60 : vector<32xf32>
    %add3A_64 = arith.addf %add3A_63, %sub3A_61 : vector<32xf32>
    %add3A_65 = arith.addf %add3A_64, %sub3A_62 : vector<32xf32>
    %eq3A = arith.constant 0 : i32
    %eq3A_66 = vector.broadcast %eq3A : i32 to vector<32xi32>
    %eq3A_67 = arith.cmpi eq, %get3A_34, %eq3A_66 : vector<32xi32>
    %add3A_68 = arith.addf %sub3A_61, %sub3A_62 : vector<32xf32>
    %eq3A_69 = arith.constant 1 : i32
    %eq3A_70 = vector.broadcast %eq3A_69 : i32 to vector<32xi32>
    %eq3A_71 = arith.cmpi eq, %get3A_34, %eq3A_70 : vector<32xi32>
    %add3A_72 = arith.addf %sub3A_60, %sub3A_62 : vector<32xf32>
    %add3A_73 = arith.addf %sub3A_60, %sub3A_61 : vector<32xf32>
    %select_n3A = arith.select %eq3A_71, %add3A_72, %add3A_73 : vector<32xi1>, vector<32xf32>
    %select_n3A_74 = arith.select %eq3A_67, %add3A_68, %select_n3A : vector<32xi1>, vector<32xf32>
    %exp3A = math.exp %select_n3A_74 : vector<32xf32>
    %mul3A_75 = arith.mulf %broadcast_in_dim3A_2, %exp3A : vector<32xf32>
    %get3A_76 = arith.constant 1 : index
    %get3A_77 = arith.constant 0 : index
    %get3A_78 = arith.constant 0 : index
    %get3A_79 = vector.load %arg0[%get3A_76, %get3A_77, %get3A_78] : memref<5x32x16xf32, #tpu.memory_space<vmem>>, vector<1x32x16xf32>
    %get3A_80 = vector.shape_cast %get3A_79 : vector<1x32x16xf32> to vector<32x16xf32>
    %slice3A_81 = vector.extract_strided_slice %get3A_80 {offsets = [0, 0], sizes = [32, 1], strides = [1, 1]} : vector<32x16xf32> to vector<32x1xf32>
    %squeeze3A_82 = vector.shape_cast %slice3A_81 : vector<32x1xf32> to vector<32xf32>
    %slice3A_83 = vector.extract_strided_slice %get3A_80 {offsets = [0, 1], sizes = [32, 1], strides = [1, 1]} : vector<32x16xf32> to vector<32x1xf32>
    %squeeze3A_84 = vector.shape_cast %slice3A_83 : vector<32x1xf32> to vector<32xf32>
    %slice3A_85 = vector.extract_strided_slice %get3A_80 {offsets = [0, 2], sizes = [32, 1], strides = [1, 1]} : vector<32x16xf32> to vector<32x1xf32>
    %squeeze3A_86 = vector.shape_cast %slice3A_85 : vector<32x1xf32> to vector<32xf32>
    %slice3A_87 = vector.extract_strided_slice %get3A_80 {offsets = [0, 3], sizes = [32, 1], strides = [1, 1]} : vector<32x16xf32> to vector<32x1xf32>
    %squeeze3A_88 = vector.shape_cast %slice3A_87 : vector<32x1xf32> to vector<32xf32>
    %slice3A_89 = vector.extract_strided_slice %get3A_80 {offsets = [0, 4], sizes = [32, 1], strides = [1, 1]} : vector<32x16xf32> to vector<32x1xf32>
    %squeeze3A_90 = vector.shape_cast %slice3A_89 : vector<32x1xf32> to vector<32xf32>
    %slice3A_91 = vector.extract_strided_slice %get3A_80 {offsets = [0, 5], sizes = [32, 1], strides = [1, 1]} : vector<32x16xf32> to vector<32x1xf32>
    %squeeze3A_92 = vector.shape_cast %slice3A_91 : vector<32x1xf32> to vector<32xf32>
    %slice3A_93 = vector.extract_strided_slice %get3A_80 {offsets = [0, 6], sizes = [32, 1], strides = [1, 1]} : vector<32x16xf32> to vector<32x1xf32>
    %squeeze3A_94 = vector.shape_cast %slice3A_93 : vector<32x1xf32> to vector<32xf32>
    %slice3A_95 = vector.extract_strided_slice %get3A_80 {offsets = [0, 7], sizes = [32, 1], strides = [1, 1]} : vector<32x16xf32> to vector<32x1xf32>
    %squeeze3A_96 = vector.shape_cast %slice3A_95 : vector<32x1xf32> to vector<32xf32>
    %slice3A_97 = vector.extract_strided_slice %get3A_80 {offsets = [0, 8], sizes = [32, 1], strides = [1, 1]} : vector<32x16xf32> to vector<32x1xf32>
    %squeeze3A_98 = vector.shape_cast %slice3A_97 : vector<32x1xf32> to vector<32xf32>
    %slice3A_99 = vector.extract_strided_slice %get3A_80 {offsets = [0, 9], sizes = [32, 1], strides = [1, 1]} : vector<32x16xf32> to vector<32x1xf32>
    %squeeze3A_100 = vector.shape_cast %slice3A_99 : vector<32x1xf32> to vector<32xf32>
    %slice3A_101 = vector.extract_strided_slice %get3A_80 {offsets = [0, 10], sizes = [32, 1], strides = [1, 1]} : vector<32x16xf32> to vector<32x1xf32>
    %squeeze3A_102 = vector.shape_cast %slice3A_101 : vector<32x1xf32> to vector<32xf32>
    %slice3A_103 = vector.extract_strided_slice %get3A_80 {offsets = [0, 11], sizes = [32, 1], strides = [1, 1]} : vector<32x16xf32> to vector<32x1xf32>
    %squeeze3A_104 = vector.shape_cast %slice3A_103 : vector<32x1xf32> to vector<32xf32>
    %get3A_105 = arith.constant 1 : index
    %get3A_106 = arith.constant 0 : index
    %get3A_107 = vector.load %arg1[%get3A_105, %get3A_106] : memref<5x32xi32, #tpu.memory_space<vmem>>, vector<1x32xi32>
    %get3A_108 = vector.shape_cast %get3A_107 : vector<1x32xi32> to vector<32xi32>
    %log3A_109 = math.log %squeeze3A_82 : vector<32xf32>
    %log3A_110 = math.log %squeeze3A_84 : vector<32xf32>
    %log3A_111 = math.log %squeeze3A_86 : vector<32xf32>
    %mul3A_112 = arith.mulf %squeeze3A_82, %squeeze3A_86 : vector<32xf32>
    %mul3A_113 = arith.mulf %mul3A_112, %squeeze3A_84 : vector<32xf32>
    %div3A_114 = arith.divf %squeeze3A_88, %mul3A_112 : vector<32xf32>
    %add3A_115 = arith.addf %log3A_109, %log3A_111 : vector<32xf32>
    %mul3A_116 = arith.mulf %add3A_115, %squeeze3A_88 : vector<32xf32>
    %sub3A_117 = arith.subf %squeeze3A_90, %mul3A_116 : vector<32xf32>
    %div3A_118 = arith.divf %sub3A_117, %mul3A_112 : vector<32xf32>
    %div3A_119 = arith.divf %squeeze3A_92, %mul3A_113 : vector<32xf32>
    %add3A_120 = arith.addf %log3A_109, %log3A_111 : vector<32xf32>
    %mul3A_121 = arith.mulf %add3A_120, %squeeze3A_92 : vector<32xf32>
    %sub3A_122 = arith.subf %squeeze3A_94, %mul3A_121 : vector<32xf32>
    %div3A_123 = arith.divf %sub3A_122, %mul3A_113 : vector<32xf32>
    %mul3A_124 = arith.mulf %log3A_110, %squeeze3A_84 : vector<32xf32>
    %sub3A_125 = arith.subf %squeeze3A_96, %mul3A_124 : vector<32xf32>
    %div3A_126 = arith.divf %sub3A_125, %squeeze3A_84 : vector<32xf32>
    %mul3A_127 = arith.mulf %log3A_110, %squeeze3A_92 : vector<32xf32>
    %sub3A_128 = arith.subf %squeeze3A_98, %mul3A_127 : vector<32xf32>
    %div3A_129 = arith.divf %sub3A_128, %mul3A_113 : vector<32xf32>
    %sub3A_130 = arith.subf %div3A_114, %div3A_119 : vector<32xf32>
    %mul3A_131 = arith.mulf %add3A_65, %sub3A_130 : vector<32xf32>
    %sub3A_132 = arith.subf %div3A_118, %div3A_123 : vector<32xf32>
    %add3A_133 = arith.addf %mul3A_131, %sub3A_132 : vector<32xf32>
    %mul3A_134 = arith.mulf %div3A_114, %div3A_126 : vector<32xf32>
    %sub3A_135 = arith.subf %mul3A_134, %div3A_129 : vector<32xf32>
    %add3A_136 = arith.addf %add3A_133, %sub3A_135 : vector<32xf32>
    %mul3A_137 = arith.mulf %mul3A_75, %add3A_136 : vector<32xf32>
    %add3A_138 = arith.addf %add3A_59, %mul3A_137 : vector<32xf32>
    %sub3A_139 = arith.subf %squeeze3A_100, %log3A_109 : vector<32xf32>
    %sub3A_140 = arith.subf %squeeze3A_102, %log3A_110 : vector<32xf32>
    %sub3A_141 = arith.subf %squeeze3A_104, %log3A_111 : vector<32xf32>
    %add3A_142 = arith.addf %add3A_65, %sub3A_139 : vector<32xf32>
    %add3A_143 = arith.addf %add3A_142, %sub3A_140 : vector<32xf32>
    %add3A_144 = arith.addf %add3A_143, %sub3A_141 : vector<32xf32>
    %eq3A_145 = arith.constant 0 : i32
    %eq3A_146 = vector.broadcast %eq3A_145 : i32 to vector<32xi32>
    %eq3A_147 = arith.cmpi eq, %get3A_108, %eq3A_146 : vector<32xi32>
    %add3A_148 = arith.addf %sub3A_140, %sub3A_141 : vector<32xf32>
    %eq3A_149 = arith.constant 1 : i32
    %eq3A_150 = vector.broadcast %eq3A_149 : i32 to vector<32xi32>
    %eq3A_151 = arith.cmpi eq, %get3A_108, %eq3A_150 : vector<32xi32>
    %add3A_152 = arith.addf %sub3A_139, %sub3A_141 : vector<32xf32>
    %add3A_153 = arith.addf %sub3A_139, %sub3A_140 : vector<32xf32>
    %select_n3A_154 = arith.select %eq3A_151, %add3A_152, %add3A_153 : vector<32xi1>, vector<32xf32>
    %select_n3A_155 = arith.select %eq3A_147, %add3A_148, %select_n3A_154 : vector<32xi1>, vector<32xf32>
    %exp3A_156 = math.exp %select_n3A_155 : vector<32xf32>
    %mul3A_157 = arith.mulf %mul3A_75, %exp3A_156 : vector<32xf32>
    %get3A_158 = arith.constant 2 : index
    %get3A_159 = arith.constant 0 : index
    %get3A_160 = arith.constant 0 : index
    %get3A_161 = vector.load %arg0[%get3A_158, %get3A_159, %get3A_160] : memref<5x32x16xf32, #tpu.memory_space<vmem>>, vector<1x32x16xf32>
    %get3A_162 = vector.shape_cast %get3A_161 : vector<1x32x16xf32> to vector<32x16xf32>
    %slice3A_163 = vector.extract_strided_slice %get3A_162 {offsets = [0, 0], sizes = [32, 1], strides = [1, 1]} : vector<32x16xf32> to vector<32x1xf32>
    %squeeze3A_164 = vector.shape_cast %slice3A_163 : vector<32x1xf32> to vector<32xf32>
    %slice3A_165 = vector.extract_strided_slice %get3A_162 {offsets = [0, 1], sizes = [32, 1], strides = [1, 1]} : vector<32x16xf32> to vector<32x1xf32>
    %squeeze3A_166 = vector.shape_cast %slice3A_165 : vector<32x1xf32> to vector<32xf32>
    %slice3A_167 = vector.extract_strided_slice %get3A_162 {offsets = [0, 2], sizes = [32, 1], strides = [1, 1]} : vector<32x16xf32> to vector<32x1xf32>
    %squeeze3A_168 = vector.shape_cast %slice3A_167 : vector<32x1xf32> to vector<32xf32>
    %slice3A_169 = vector.extract_strided_slice %get3A_162 {offsets = [0, 3], sizes = [32, 1], strides = [1, 1]} : vector<32x16xf32> to vector<32x1xf32>
    %squeeze3A_170 = vector.shape_cast %slice3A_169 : vector<32x1xf32> to vector<32xf32>
    %slice3A_171 = vector.extract_strided_slice %get3A_162 {offsets = [0, 4], sizes = [32, 1], strides = [1, 1]} : vector<32x16xf32> to vector<32x1xf32>
    %squeeze3A_172 = vector.shape_cast %slice3A_171 : vector<32x1xf32> to vector<32xf32>
    %slice3A_173 = vector.extract_strided_slice %get3A_162 {offsets = [0, 5], sizes = [32, 1], strides = [1, 1]} : vector<32x16xf32> to vector<32x1xf32>
    %squeeze3A_174 = vector.shape_cast %slice3A_173 : vector<32x1xf32> to vector<32xf32>
    %slice3A_175 = vector.extract_strided_slice %get3A_162 {offsets = [0, 6], sizes = [32, 1], strides = [1, 1]} : vector<32x16xf32> to vector<32x1xf32>
    %squeeze3A_176 = vector.shape_cast %slice3A_175 : vector<32x1xf32> to vector<32xf32>
    %slice3A_177 = vector.extract_strided_slice %get3A_162 {offsets = [0, 7], sizes = [32, 1], strides = [1, 1]} : vector<32x16xf32> to vector<32x1xf32>
    %squeeze3A_178 = vector.shape_cast %slice3A_177 : vector<32x1xf32> to vector<32xf32>
    %slice3A_179 = vector.extract_strided_slice %get3A_162 {offsets = [0, 8], sizes = [32, 1], strides = [1, 1]} : vector<32x16xf32> to vector<32x1xf32>
    %squeeze3A_180 = vector.shape_cast %slice3A_179 : vector<32x1xf32> to vector<32xf32>
    %slice3A_181 = vector.extract_strided_slice %get3A_162 {offsets = [0, 9], sizes = [32, 1], strides = [1, 1]} : vector<32x16xf32> to vector<32x1xf32>
    %squeeze3A_182 = vector.shape_cast %slice3A_181 : vector<32x1xf32> to vector<32xf32>
    %slice3A_183 = vector.extract_strided_slice %get3A_162 {offsets = [0, 10], sizes = [32, 1], strides = [1, 1]} : vector<32x16xf32> to vector<32x1xf32>
    %squeeze3A_184 = vector.shape_cast %slice3A_183 : vector<32x1xf32> to vector<32xf32>
    %slice3A_185 = vector.extract_strided_slice %get3A_162 {offsets = [0, 11], sizes = [32, 1], strides = [1, 1]} : vector<32x16xf32> to vector<32x1xf32>
    %squeeze3A_186 = vector.shape_cast %slice3A_185 : vector<32x1xf32> to vector<32xf32>
    %get3A_187 = arith.constant 2 : index
    %get3A_188 = arith.constant 0 : index
    %get3A_189 = vector.load %arg1[%get3A_187, %get3A_188] : memref<5x32xi32, #tpu.memory_space<vmem>>, vector<1x32xi32>
    %get3A_190 = vector.shape_cast %get3A_189 : vector<1x32xi32> to vector<32xi32>
    %log3A_191 = math.log %squeeze3A_164 : vector<32xf32>
    %log3A_192 = math.log %squeeze3A_166 : vector<32xf32>
    %log3A_193 = math.log %squeeze3A_168 : vector<32xf32>
    %mul3A_194 = arith.mulf %squeeze3A_164, %squeeze3A_168 : vector<32xf32>
    %mul3A_195 = arith.mulf %mul3A_194, %squeeze3A_166 : vector<32xf32>
    %div3A_196 = arith.divf %squeeze3A_170, %mul3A_194 : vector<32xf32>
    %add3A_197 = arith.addf %log3A_191, %log3A_193 : vector<32xf32>
    %mul3A_198 = arith.mulf %add3A_197, %squeeze3A_170 : vector<32xf32>
    %sub3A_199 = arith.subf %squeeze3A_172, %mul3A_198 : vector<32xf32>
    %div3A_200 = arith.divf %sub3A_199, %mul3A_194 : vector<32xf32>
    %div3A_201 = arith.divf %squeeze3A_174, %mul3A_195 : vector<32xf32>
    %add3A_202 = arith.addf %log3A_191, %log3A_193 : vector<32xf32>
    %mul3A_203 = arith.mulf %add3A_202, %squeeze3A_174 : vector<32xf32>
    %sub3A_204 = arith.subf %squeeze3A_176, %mul3A_203 : vector<32xf32>
    %div3A_205 = arith.divf %sub3A_204, %mul3A_195 : vector<32xf32>
    %mul3A_206 = arith.mulf %log3A_192, %squeeze3A_166 : vector<32xf32>
    %sub3A_207 = arith.subf %squeeze3A_178, %mul3A_206 : vector<32xf32>
    %div3A_208 = arith.divf %sub3A_207, %squeeze3A_166 : vector<32xf32>
    %mul3A_209 = arith.mulf %log3A_192, %squeeze3A_174 : vector<32xf32>
    %sub3A_210 = arith.subf %squeeze3A_180, %mul3A_209 : vector<32xf32>
    %div3A_211 = arith.divf %sub3A_210, %mul3A_195 : vector<32xf32>
    %sub3A_212 = arith.subf %div3A_196, %div3A_201 : vector<32xf32>
    %mul3A_213 = arith.mulf %add3A_144, %sub3A_212 : vector<32xf32>
    %sub3A_214 = arith.subf %div3A_200, %div3A_205 : vector<32xf32>
    %add3A_215 = arith.addf %mul3A_213, %sub3A_214 : vector<32xf32>
    %mul3A_216 = arith.mulf %div3A_196, %div3A_208 : vector<32xf32>
    %sub3A_217 = arith.subf %mul3A_216, %div3A_211 : vector<32xf32>
    %add3A_218 = arith.addf %add3A_215, %sub3A_217 : vector<32xf32>
    %mul3A_219 = arith.mulf %mul3A_157, %add3A_218 : vector<32xf32>
    %add3A_220 = arith.addf %add3A_138, %mul3A_219 : vector<32xf32>
    %sub3A_221 = arith.subf %squeeze3A_182, %log3A_191 : vector<32xf32>
    %sub3A_222 = arith.subf %squeeze3A_184, %log3A_192 : vector<32xf32>
    %sub3A_223 = arith.subf %squeeze3A_186, %log3A_193 : vector<32xf32>
    %add3A_224 = arith.addf %add3A_144, %sub3A_221 : vector<32xf32>
    %add3A_225 = arith.addf %add3A_224, %sub3A_222 : vector<32xf32>
    %add3A_226 = arith.addf %add3A_225, %sub3A_223 : vector<32xf32>
    %eq3A_227 = arith.constant 0 : i32
    %eq3A_228 = vector.broadcast %eq3A_227 : i32 to vector<32xi32>
    %eq3A_229 = arith.cmpi eq, %get3A_190, %eq3A_228 : vector<32xi32>
    %add3A_230 = arith.addf %sub3A_222, %sub3A_223 : vector<32xf32>
    %eq3A_231 = arith.constant 1 : i32
    %eq3A_232 = vector.broadcast %eq3A_231 : i32 to vector<32xi32>
    %eq3A_233 = arith.cmpi eq, %get3A_190, %eq3A_232 : vector<32xi32>
    %add3A_234 = arith.addf %sub3A_221, %sub3A_223 : vector<32xf32>
    %add3A_235 = arith.addf %sub3A_221, %sub3A_222 : vector<32xf32>
    %select_n3A_236 = arith.select %eq3A_233, %add3A_234, %add3A_235 : vector<32xi1>, vector<32xf32>
    %select_n3A_237 = arith.select %eq3A_229, %add3A_230, %select_n3A_236 : vector<32xi1>, vector<32xf32>
    %exp3A_238 = math.exp %select_n3A_237 : vector<32xf32>
    %mul3A_239 = arith.mulf %mul3A_157, %exp3A_238 : vector<32xf32>
    %get3A_240 = arith.constant 3 : index
    %get3A_241 = arith.constant 0 : index
    %get3A_242 = arith.constant 0 : index
    %get3A_243 = vector.load %arg0[%get3A_240, %get3A_241, %get3A_242] : memref<5x32x16xf32, #tpu.memory_space<vmem>>, vector<1x32x16xf32>
    %get3A_244 = vector.shape_cast %get3A_243 : vector<1x32x16xf32> to vector<32x16xf32>
    %slice3A_245 = vector.extract_strided_slice %get3A_244 {offsets = [0, 0], sizes = [32, 1], strides = [1, 1]} : vector<32x16xf32> to vector<32x1xf32>
    %squeeze3A_246 = vector.shape_cast %slice3A_245 : vector<32x1xf32> to vector<32xf32>
    %slice3A_247 = vector.extract_strided_slice %get3A_244 {offsets = [0, 1], sizes = [32, 1], strides = [1, 1]} : vector<32x16xf32> to vector<32x1xf32>
    %squeeze3A_248 = vector.shape_cast %slice3A_247 : vector<32x1xf32> to vector<32xf32>
    %slice3A_249 = vector.extract_strided_slice %get3A_244 {offsets = [0, 2], sizes = [32, 1], strides = [1, 1]} : vector<32x16xf32> to vector<32x1xf32>
    %squeeze3A_250 = vector.shape_cast %slice3A_249 : vector<32x1xf32> to vector<32xf32>
    %slice3A_251 = vector.extract_strided_slice %get3A_244 {offsets = [0, 3], sizes = [32, 1], strides = [1, 1]} : vector<32x16xf32> to vector<32x1xf32>
    %squeeze3A_252 = vector.shape_cast %slice3A_251 : vector<32x1xf32> to vector<32xf32>
    %slice3A_253 = vector.extract_strided_slice %get3A_244 {offsets = [0, 4], sizes = [32, 1], strides = [1, 1]} : vector<32x16xf32> to vector<32x1xf32>
    %squeeze3A_254 = vector.shape_cast %slice3A_253 : vector<32x1xf32> to vector<32xf32>
    %slice3A_255 = vector.extract_strided_slice %get3A_244 {offsets = [0, 5], sizes = [32, 1], strides = [1, 1]} : vector<32x16xf32> to vector<32x1xf32>
    %squeeze3A_256 = vector.shape_cast %slice3A_255 : vector<32x1xf32> to vector<32xf32>
    %slice3A_257 = vector.extract_strided_slice %get3A_244 {offsets = [0, 6], sizes = [32, 1], strides = [1, 1]} : vector<32x16xf32> to vector<32x1xf32>
    %squeeze3A_258 = vector.shape_cast %slice3A_257 : vector<32x1xf32> to vector<32xf32>
    %slice3A_259 = vector.extract_strided_slice %get3A_244 {offsets = [0, 7], sizes = [32, 1], strides = [1, 1]} : vector<32x16xf32> to vector<32x1xf32>
    %squeeze3A_260 = vector.shape_cast %slice3A_259 : vector<32x1xf32> to vector<32xf32>
    %slice3A_261 = vector.extract_strided_slice %get3A_244 {offsets = [0, 8], sizes = [32, 1], strides = [1, 1]} : vector<32x16xf32> to vector<32x1xf32>
    %squeeze3A_262 = vector.shape_cast %slice3A_261 : vector<32x1xf32> to vector<32xf32>
    %slice3A_263 = vector.extract_strided_slice %get3A_244 {offsets = [0, 9], sizes = [32, 1], strides = [1, 1]} : vector<32x16xf32> to vector<32x1xf32>
    %squeeze3A_264 = vector.shape_cast %slice3A_263 : vector<32x1xf32> to vector<32xf32>
    %slice3A_265 = vector.extract_strided_slice %get3A_244 {offsets = [0, 10], sizes = [32, 1], strides = [1, 1]} : vector<32x16xf32> to vector<32x1xf32>
    %squeeze3A_266 = vector.shape_cast %slice3A_265 : vector<32x1xf32> to vector<32xf32>
    %slice3A_267 = vector.extract_strided_slice %get3A_244 {offsets = [0, 11], sizes = [32, 1], strides = [1, 1]} : vector<32x16xf32> to vector<32x1xf32>
    %squeeze3A_268 = vector.shape_cast %slice3A_267 : vector<32x1xf32> to vector<32xf32>
    %get3A_269 = arith.constant 3 : index
    %get3A_270 = arith.constant 0 : index
    %get3A_271 = vector.load %arg1[%get3A_269, %get3A_270] : memref<5x32xi32, #tpu.memory_space<vmem>>, vector<1x32xi32>
    %get3A_272 = vector.shape_cast %get3A_271 : vector<1x32xi32> to vector<32xi32>
    %log3A_273 = math.log %squeeze3A_246 : vector<32xf32>
    %log3A_274 = math.log %squeeze3A_248 : vector<32xf32>
    %log3A_275 = math.log %squeeze3A_250 : vector<32xf32>
    %mul3A_276 = arith.mulf %squeeze3A_246, %squeeze3A_250 : vector<32xf32>
    %mul3A_277 = arith.mulf %mul3A_276, %squeeze3A_248 : vector<32xf32>
    %div3A_278 = arith.divf %squeeze3A_252, %mul3A_276 : vector<32xf32>
    %add3A_279 = arith.addf %log3A_273, %log3A_275 : vector<32xf32>
    %mul3A_280 = arith.mulf %add3A_279, %squeeze3A_252 : vector<32xf32>
    %sub3A_281 = arith.subf %squeeze3A_254, %mul3A_280 : vector<32xf32>
    %div3A_282 = arith.divf %sub3A_281, %mul3A_276 : vector<32xf32>
    %div3A_283 = arith.divf %squeeze3A_256, %mul3A_277 : vector<32xf32>
    %add3A_284 = arith.addf %log3A_273, %log3A_275 : vector<32xf32>
    %mul3A_285 = arith.mulf %add3A_284, %squeeze3A_256 : vector<32xf32>
    %sub3A_286 = arith.subf %squeeze3A_258, %mul3A_285 : vector<32xf32>
    %div3A_287 = arith.divf %sub3A_286, %mul3A_277 : vector<32xf32>
    %mul3A_288 = arith.mulf %log3A_274, %squeeze3A_248 : vector<32xf32>
    %sub3A_289 = arith.subf %squeeze3A_260, %mul3A_288 : vector<32xf32>
    %div3A_290 = arith.divf %sub3A_289, %squeeze3A_248 : vector<32xf32>
    %mul3A_291 = arith.mulf %log3A_274, %squeeze3A_256 : vector<32xf32>
    %sub3A_292 = arith.subf %squeeze3A_262, %mul3A_291 : vector<32xf32>
    %div3A_293 = arith.divf %sub3A_292, %mul3A_277 : vector<32xf32>
    %sub3A_294 = arith.subf %div3A_278, %div3A_283 : vector<32xf32>
    %mul3A_295 = arith.mulf %add3A_226, %sub3A_294 : vector<32xf32>
    %sub3A_296 = arith.subf %div3A_282, %div3A_287 : vector<32xf32>
    %add3A_297 = arith.addf %mul3A_295, %sub3A_296 : vector<32xf32>
    %mul3A_298 = arith.mulf %div3A_278, %div3A_290 : vector<32xf32>
    %sub3A_299 = arith.subf %mul3A_298, %div3A_293 : vector<32xf32>
    %add3A_300 = arith.addf %add3A_297, %sub3A_299 : vector<32xf32>
    %mul3A_301 = arith.mulf %mul3A_239, %add3A_300 : vector<32xf32>
    %add3A_302 = arith.addf %add3A_220, %mul3A_301 : vector<32xf32>
    %sub3A_303 = arith.subf %squeeze3A_264, %log3A_273 : vector<32xf32>
    %sub3A_304 = arith.subf %squeeze3A_266, %log3A_274 : vector<32xf32>
    %sub3A_305 = arith.subf %squeeze3A_268, %log3A_275 : vector<32xf32>
    %add3A_306 = arith.addf %add3A_226, %sub3A_303 : vector<32xf32>
    %add3A_307 = arith.addf %add3A_306, %sub3A_304 : vector<32xf32>
    %add3A_308 = arith.addf %add3A_307, %sub3A_305 : vector<32xf32>
    %eq3A_309 = arith.constant 0 : i32
    %eq3A_310 = vector.broadcast %eq3A_309 : i32 to vector<32xi32>
    %eq3A_311 = arith.cmpi eq, %get3A_272, %eq3A_310 : vector<32xi32>
    %add3A_312 = arith.addf %sub3A_304, %sub3A_305 : vector<32xf32>
    %eq3A_313 = arith.constant 1 : i32
    %eq3A_314 = vector.broadcast %eq3A_313 : i32 to vector<32xi32>
    %eq3A_315 = arith.cmpi eq, %get3A_272, %eq3A_314 : vector<32xi32>
    %add3A_316 = arith.addf %sub3A_303, %sub3A_305 : vector<32xf32>
    %add3A_317 = arith.addf %sub3A_303, %sub3A_304 : vector<32xf32>
    %select_n3A_318 = arith.select %eq3A_315, %add3A_316, %add3A_317 : vector<32xi1>, vector<32xf32>
    %select_n3A_319 = arith.select %eq3A_311, %add3A_312, %select_n3A_318 : vector<32xi1>, vector<32xf32>
    %exp3A_320 = math.exp %select_n3A_319 : vector<32xf32>
    %mul3A_321 = arith.mulf %mul3A_239, %exp3A_320 : vector<32xf32>
    %get3A_322 = arith.constant 4 : index
    %get3A_323 = arith.constant 0 : index
    %get3A_324 = arith.constant 0 : index
    %get3A_325 = vector.load %arg0[%get3A_322, %get3A_323, %get3A_324] : memref<5x32x16xf32, #tpu.memory_space<vmem>>, vector<1x32x16xf32>
    %get3A_326 = vector.shape_cast %get3A_325 : vector<1x32x16xf32> to vector<32x16xf32>
    %slice3A_327 = vector.extract_strided_slice %get3A_326 {offsets = [0, 0], sizes = [32, 1], strides = [1, 1]} : vector<32x16xf32> to vector<32x1xf32>
    %squeeze3A_328 = vector.shape_cast %slice3A_327 : vector<32x1xf32> to vector<32xf32>
    %slice3A_329 = vector.extract_strided_slice %get3A_326 {offsets = [0, 1], sizes = [32, 1], strides = [1, 1]} : vector<32x16xf32> to vector<32x1xf32>
    %squeeze3A_330 = vector.shape_cast %slice3A_329 : vector<32x1xf32> to vector<32xf32>
    %slice3A_331 = vector.extract_strided_slice %get3A_326 {offsets = [0, 2], sizes = [32, 1], strides = [1, 1]} : vector<32x16xf32> to vector<32x1xf32>
    %squeeze3A_332 = vector.shape_cast %slice3A_331 : vector<32x1xf32> to vector<32xf32>
    %slice3A_333 = vector.extract_strided_slice %get3A_326 {offsets = [0, 3], sizes = [32, 1], strides = [1, 1]} : vector<32x16xf32> to vector<32x1xf32>
    %squeeze3A_334 = vector.shape_cast %slice3A_333 : vector<32x1xf32> to vector<32xf32>
    %slice3A_335 = vector.extract_strided_slice %get3A_326 {offsets = [0, 4], sizes = [32, 1], strides = [1, 1]} : vector<32x16xf32> to vector<32x1xf32>
    %squeeze3A_336 = vector.shape_cast %slice3A_335 : vector<32x1xf32> to vector<32xf32>
    %slice3A_337 = vector.extract_strided_slice %get3A_326 {offsets = [0, 5], sizes = [32, 1], strides = [1, 1]} : vector<32x16xf32> to vector<32x1xf32>
    %squeeze3A_338 = vector.shape_cast %slice3A_337 : vector<32x1xf32> to vector<32xf32>
    %slice3A_339 = vector.extract_strided_slice %get3A_326 {offsets = [0, 6], sizes = [32, 1], strides = [1, 1]} : vector<32x16xf32> to vector<32x1xf32>
    %squeeze3A_340 = vector.shape_cast %slice3A_339 : vector<32x1xf32> to vector<32xf32>
    %slice3A_341 = vector.extract_strided_slice %get3A_326 {offsets = [0, 7], sizes = [32, 1], strides = [1, 1]} : vector<32x16xf32> to vector<32x1xf32>
    %squeeze3A_342 = vector.shape_cast %slice3A_341 : vector<32x1xf32> to vector<32xf32>
    %slice3A_343 = vector.extract_strided_slice %get3A_326 {offsets = [0, 8], sizes = [32, 1], strides = [1, 1]} : vector<32x16xf32> to vector<32x1xf32>
    %squeeze3A_344 = vector.shape_cast %slice3A_343 : vector<32x1xf32> to vector<32xf32>
    %log3A_345 = math.log %squeeze3A_328 : vector<32xf32>
    %log3A_346 = math.log %squeeze3A_330 : vector<32xf32>
    %log3A_347 = math.log %squeeze3A_332 : vector<32xf32>
    %mul3A_348 = arith.mulf %squeeze3A_328, %squeeze3A_332 : vector<32xf32>
    %mul3A_349 = arith.mulf %mul3A_348, %squeeze3A_330 : vector<32xf32>
    %div3A_350 = arith.divf %squeeze3A_334, %mul3A_348 : vector<32xf32>
    %add3A_351 = arith.addf %log3A_345, %log3A_347 : vector<32xf32>
    %mul3A_352 = arith.mulf %add3A_351, %squeeze3A_334 : vector<32xf32>
    %sub3A_353 = arith.subf %squeeze3A_336, %mul3A_352 : vector<32xf32>
    %div3A_354 = arith.divf %sub3A_353, %mul3A_348 : vector<32xf32>
    %div3A_355 = arith.divf %squeeze3A_338, %mul3A_349 : vector<32xf32>
    %add3A_356 = arith.addf %log3A_345, %log3A_347 : vector<32xf32>
    %mul3A_357 = arith.mulf %add3A_356, %squeeze3A_338 : vector<32xf32>
    %sub3A_358 = arith.subf %squeeze3A_340, %mul3A_357 : vector<32xf32>
    %div3A_359 = arith.divf %sub3A_358, %mul3A_349 : vector<32xf32>
    %mul3A_360 = arith.mulf %log3A_346, %squeeze3A_330 : vector<32xf32>
    %sub3A_361 = arith.subf %squeeze3A_342, %mul3A_360 : vector<32xf32>
    %div3A_362 = arith.divf %sub3A_361, %squeeze3A_330 : vector<32xf32>
    %mul3A_363 = arith.mulf %log3A_346, %squeeze3A_338 : vector<32xf32>
    %sub3A_364 = arith.subf %squeeze3A_344, %mul3A_363 : vector<32xf32>
    %div3A_365 = arith.divf %sub3A_364, %mul3A_349 : vector<32xf32>
    %sub3A_366 = arith.subf %div3A_350, %div3A_355 : vector<32xf32>
    %mul3A_367 = arith.mulf %add3A_308, %sub3A_366 : vector<32xf32>
    %sub3A_368 = arith.subf %div3A_354, %div3A_359 : vector<32xf32>
    %add3A_369 = arith.addf %mul3A_367, %sub3A_368 : vector<32xf32>
    %mul3A_370 = arith.mulf %div3A_350, %div3A_362 : vector<32xf32>
    %sub3A_371 = arith.subf %mul3A_370, %div3A_365 : vector<32xf32>
    %add3A_372 = arith.addf %add3A_369, %sub3A_371 : vector<32xf32>
    %mul3A_373 = arith.mulf %mul3A_321, %add3A_372 : vector<32xf32>
    %add3A_374 = arith.addf %add3A_302, %mul3A_373 : vector<32xf32>
    %reduce_sum3A = vector.shape_cast %add3A_374 : vector<32xf32> to vector<1x32xf32>
    %reduce_sum3A_375 = arith.constant dense<0.000000e+00> : vector<1xf32>
    %reduce_sum3A_376 = vector.multi_reduction <add>, %reduce_sum3A, %reduce_sum3A_375 [1] : vector<1x32xf32> to vector<1xf32>
    %reduce_sum3A_377 = vector.shape_cast %reduce_sum3A_376 : vector<1xf32> to vector<1x1xf32>
    %reduce_sum3A_378 = vector.extract %reduce_sum3A_377[0, 0] : f32 from vector<1x1xf32>
    %div3A_379 = arith.constant 3.200000e+01 : f32
    %div3A_380 = arith.divf %reduce_sum3A_378, %div3A_379 : f32
    %neg3A = arith.constant 0.000000e+00 : f32
    %neg3A_381 = arith.subf %neg3A, %div3A_380 : f32
    %broadcast_in_dim3A_382 = vector.broadcast %neg3A_381 : f32 to vector<1x1xf32>
    %swap3A = arith.constant 0 : index
    %swap3A_383 = arith.constant 0 : index
    %swap3A_384 = vector.load %arg2[%swap3A, %swap3A_383] : memref<1x1xf32, #tpu.memory_space<vmem>>, vector<1x1xf32>
    tpu.vector_store %arg2[%swap3A, %swap3A_383], %broadcast_in_dim3A_382 {strides = array<i32>} : memref<1x1xf32, #tpu.memory_space<vmem>>, vector<1x1xf32>,
    return
  }
}

</mosaic_0001>

<sc_bundles>
// kernel: kernel.5.cloned.1.call-start
scs
__scs_entry_jumppad:
0x0: {  	(pc) =	sbr.rel $0x88, $3  }
0x1: {  	(tag) =	ssettag $0x0;
	lr =	simm.s32 $0x1  }
0x2: {  	[smem:$0x3F9E] =	sst lr;
	_ =	strace $0xD0000000  }
0x3: {  	_ = 	snop  }
0x4: {  	_ = 	snop  }
0x5: {  	_ = 	snop  }
0x6: {  	_ = 	snop  }
0x7: {  	_ = 	snop  }
__scs_overlays_trampoline_lowered:
0x8: {  	[smem:$0x3FAD] =	sst s0  }
0x9: {  	[smem:$0x3FAE] =	sst s1  }
0xa: {  	[smem:$0x3FAF] =	sst s2  }
0xb: {  	[smem:$0x3FB0] =	sst s3  }
0xc: {  	[smem:$0x3FB1] =	sst s4  }
0xd: {  	[smem:$0x3FB2] =	sst s5  }
0xe: {  	[smem:$0x3FB3] =	sst s6  }
0xf: {  	[smem:$0x3FB4] =	sst s7  }
0x10: {  	[smem:$0x3FB5] =	sst s8  }
0x11: {  	[smem:$0x3FB6] =	sst s9;
	s0 =	simm.s32 @!p0 $0x0  }
0x12: {  	s1 =	sld [smem:$0x3F9C];
	s0 =	simm.s32 @p0 $0x1  }
0x13: {  	[smem:$0x3FB7] =	sst s0;
	s0 =	simm.s32 @!p1 $0x0  }
0x14: {  	s2 =	sld [smem:$0x3F9B];
	s0 =	simm.s32 @p1 $0x1  }
0x15: {  	[smem:$0x3FB8] =	sst s0;
	s0 =	simm.s32 @!p2 $0x0  }
0x16: {  	s3 =	sld [smem:$0x3FDB];
	s0 =	simm.s32 @p2 $0x1  }
0x17: {  	s4 =	simm.s32 $0x1BF5;
	[smem:$0x3FBA] =	sst s0  }
0x18: {  	s0 =	sld [smem:$0x3F9D];
	_ =	swait.ge [sflag:s4], $0x0  }
0x19: {  	s7 =	sld [smem:$0x3F9E]  }
0x1a: {  	s8 =	sadd.s32 $0xFFFFE003, lr  }
0x1b: {  	s9 =	sadd.s32 $0xFFFFFEF7, lr;
	s5 =	simm.s32 $0xFFFFFFFF;
	p2 =	slt.u32 s8, $0xFFFFF086  }
0x1c: {  	p1 =	slt.u32 s9, $0xF7A;
	s5 =	simm.s32 @!p2 $0x0  }
0x1d: {  	s5 =	simm.s32 @p1 $0x1;
	p0 =	seq.s32 s7, s2  }
0x1e: {  	s7 =	smul.u32 @!p0 $0xF7A, s2;
	p2 =	seq.s32 @!p0 s5, $0x0  }
0x1f: {  	s9 =	smul.u32 $0xF7A, s1;
	s8 =	simm.s32 @!p0 $0x1BF5;
	p2 =	por !p2, p0  }
0x20: {  	[sflag:s8] =	ssyncset.s32 @!p0 $0xFFFFF086;
	s6 =	sadd.s32 @!p0 s3, s7;
	s7 =	simm.s32 @!p0 $0x108  }
0x21: {  	s3 =	sadd.s32 s3, s9;
	s6 =	sadd.s32 @!p0 $0x88, s6;
	s7 =	simm.s32 @p2 $0x1082  }
0x22: {  	[simem:s7], [sflag:s8] =	dma.local @!p0 [hbm:s6], $0xF7A  }
0x23: {  	s9 =	sor.u32 $0xD0000000, s2;
	s6 =	simm.s32 $0x108;
	_ =	swait.ge @!p0 [sflag:s8], $0x0  }
0x24: {  	s3 =	sadd.s32 $0x88, s3;
	s6 =	simm.s32 @!p1 $0x1082;
	[sflag:s4] =	ssyncset.s32 $0xFFFFF086  }
0x25: {  	[simem:s6], [sflag:s4] =	dma.local [hbm:s3], $0xF7A  }
0x26: {  	[smem:$0x3F9E] =	sst s1;
	(tag) =	ssettag s2;
	_ =	strace s9  }
0x27: {  	s1 =	sld [smem:$0x3FAE]  }
0x28: {  	s2 =	sld [smem:$0x3FAF]  }
0x29: {  	s4 =	sld [smem:$0x3FB1]  }
0x2a: {  	p0 =	seq.s32 s5, $0x0;
	s5 =	sld [smem:$0x3FB2]  }
0x2b: {  	s6 =	sld [smem:$0x3FB3]  }
0x2c: {  	s7 =	sld [smem:$0x3FB4]  }
0x2d: {  	s3 =	simm.s32 $0x108;
	s8 =	sld [smem:$0x3FB5]  }
0x2e: {  	s3 =	simm.s32 @!p0 $0x1082;
	s9 =	sld [smem:$0x3FB6]  }
0x2f: {  	lr =	sadd.s32 s0, s3;
	s0 =	sld [smem:$0x3FAD]  }
0x30: {  	s3 =	sld [smem:$0x3FB0]  }
0x31: {  	[smem:$0x3FB9] =	sst s10  }
0x32: {  	s10 =	sld [smem:$0x3FB7];
	_ =	sdelay $0x3  }
0x33: {  	p0 =	seq.s32 s10, $0x1;
	s10 =	sld [smem:$0x3FB9];
	_ =	sdelay $0x3  }
0x34: {  	[smem:$0x3FB9] =	sst s10  }
0x35: {  	s10 =	sld [smem:$0x3FB8];
	_ =	sdelay $0x3  }
0x36: {  	p1 =	seq.s32 s10, $0x1;
	s10 =	sld [smem:$0x3FB9];
	_ =	sdelay $0x3  }
0x37: {  	[smem:$0x3FB9] =	sst s10  }
0x38: {  	s10 =	sld [smem:$0x3FBA]  }
0x39: {  	_ = 	snop;
	(pc) =	sbr.ind lr, $3  }
0x3a: {  	_ = 	snop  }
0x3b: {  	_ = 	snop  }
0x3c: {  	p2 =	seq.s32 s10, $0x1;
	s10 =	sld [smem:$0x3FB9]  }
0x3d: {  	_ =	shalt  }
0x3e: {  	_ =	shalt  }
0x3f: {  	_ =	shalt  }
0x40: {  	_ =	shalt  }
0x41: {  	_ =	shalt  }
0x42: {  	_ =	shalt  }
0x43: {  	_ =	shalt  }
0x44: {  	_ =	shalt  }
0x45: {  	_ =	shalt  }
0x46: {  	_ =	shalt  }
0x47: {  	_ =	shalt  }
0x48: {  	_ =	shalt  }
0x49: {  	_ =	shalt  }
0x4a: {  	_ =	shalt  }
0x4b: {  	_ =	shalt  }
0x4c: {  	_ =	shalt  }
0x4d: {  	_ =	shalt  }
0x4e: {  	_ =	shalt  }
0x4f: {  	_ =	shalt  }
0x50: {  	_ =	shalt  }
0x51: {  	_ =	shalt  }
0x52: {  	_ =	shalt  }
0x53: {  	_ =	shalt  }
0x54: {  	_ =	shalt  }
0x55: {  	_ =	shalt  }
0x56: {  	_ =	shalt  }
0x57: {  	_ =	shalt  }
0x58: {  	_ =	shalt  }
0x59: {  	_ =	shalt  }
0x5a: {  	_ =	shalt  }
0x5b: {  	_ =	shalt  }
0x5c: {  	_ =	shalt  }
0x5d: {  	_ =	shalt  }
0x5e: {  	_ =	shalt  }
0x5f: {  	_ =	shalt  }
0x60: {  	_ =	shalt  }
0x61: {  	_ =	shalt  }
0x62: {  	_ =	shalt  }
0x63: {  	_ =	shalt  }
0x64: {  	_ =	shalt  }
0x65: {  	_ =	shalt  }
0x66: {  	_ =	shalt  }
0x67: {  	_ =	shalt  }
0x68: {  	_ =	shalt  }
0x69: {  	_ =	shalt  }
0x6a: {  	_ =	shalt  }
0x6b: {  	_ =	shalt  }
0x6c: {  	_ =	shalt  }
0x6d: {  	_ =	shalt  }
0x6e: {  	_ =	shalt  }
0x6f: {  	_ =	shalt  }
0x70: {  	_ =	shalt  }
0x71: {  	_ =	shalt  }
0x72: {  	_ =	shalt  }
0x73: {  	_ =	shalt  }
0x74: {  	_ =	shalt  }
0x75: {  	_ =	shalt  }
0x76: {  	_ =	shalt  }
0x77: {  	_ =	shalt  }
0x78: {  	_ =	shalt  }
0x79: {  	_ =	shalt  }
0x7a: {  	_ =	shalt  }
0x7b: {  	_ =	shalt  }
0x7c: {  	_ =	shalt  }
0x7d: {  	_ =	shalt  }
0x7e: {  	_ =	shalt  }
0x7f: {  	_ =	shalt  }
0x80: {  	_ =	shalt  }
0x81: {  	_ =	shalt  }
0x82: {  	_ =	shalt  }
0x83: {  	_ =	shalt  }
0x84: {  	_ =	shalt  }
0x85: {  	_ =	shalt  }
0x86: {  	_ =	shalt  }
0x87: {  	_ =	shalt  }
.Lfunc_end0:
.L_simem_size_0:
called_computation_lowered:
.L_overlay_start_0:
0x88: {  	s2 =	sld [smem:$0x3FD9]  }
0x89: {  	s3 =	sld [smem:$0x3FFE];
	_ =	sdelay $0x1  }
0x8a: {  	s1 =	srdreg.scid  }
0x8b: {  	s0 =	sand.u32 $0x1, s1  }
0x8c: {  	s16 =	sshll.u32 s0, $0xA;
	s2 =	sadd.s32 s3, s2  }
0x8d: {  	s2 =	sadd.s32 s2, s16  }
0x8e: {  	[smem:$0x3FC5] =	sst s2  }
0x8f: {  	_ = 	snop  }
0x90: {  	(tm) =	ssettm $0x1  }
0x91: {  	s17 =	sld [smem:$0x3FFB];
	_ =	sdelay $0x3  }
0x92: {  	_ =	strace s17  }
0x93: {  	s2 =	sld [smem:$0x3FFC];
	_ =	sdelay $0x3  }
0x94: {  	_ =	strace s2  }
0x95: {  	s2 =	sld [smem:$0x3FFD];
	_ =	sdelay $0x3  }
0x96: {  	_ =	strace s2  }
0x97: {  	_ =	strace $0x8FFFFFFF  }
0x98: {  	s18 =	sld [smem:$0x3FDB];
	_ =	sdelay $0x1  }
0x99: {  	s19 =	simm.s32 $_scs_section_size  }
0x9a: {  	s4 =	simm.s32 $_size__tile_overlayer_lowered;
	s5 =	simm.s32 $_tile_overlayer_lowered  }
0x9b: {  	s22 =	simm.s32 $0x1BFF;
	s21 =	sshll.u32 s5, $0x1;
	s2 =	sadd.s32 s19, s18  }
0x9c: {  	s6 =	simm.s32 $0x0;
	s20 =	sshll.u32 s4, $0x1;
	s4 =	sadd.s32 s21, s2  }
0x9d: {  	[timem:s6], [sflag:s22] =	dma.local [hbm:s4], s20  }
0x9e: {  	_ =	swait.ge [sflag:s22], s20  }
0x9f: {  	s3 =	ssub.s32 $0x0, s20;
	[sflag:s22] =	ssyncset.done $0x0  }
0xa0: {  	[sflag:s22] =	ssyncadd.s32 s3;
	_ =	sdelay $0x1  }
0xa1: {  	s23 =	simm.s32 $0x1B8B  }
0xa2: {  	_ =	swait.ge [sflag:s23], $0x1  }
0xa3: {  	[sflag:s23] =	ssyncset.done $0x0  }
0xa4: {  	s25 =	simm.s32 $0x1B8E;
	s24 =	sld [smem:$0x3FFE];
	[sflag:s23] =	ssyncadd.s32 $0xFFFFFFFF  }
0xa5: {  	s26 =	simm.s32 $execute0_lowered;
	[smem:$0x3FD2] =	sst s25  }
0xa6: {  	s4 =	sshll.u32 s26, $0x1;
	_ =	strace $0x80000046;
	[dreg:$0x1] =	wrdreg $0xFFFFFFFF  }
0xa7: {  	s28 =	simm.s32 $_size_execute0_lowered;
	s2 =	sadd.s32 s2, s4;
	[dreg:$0x0] =	wrdreg $0x0  }
0xa8: {  	s4 =	sshll.u32 s28, $0x1;
	[dreg:$0x2] =	wrdreg s2  }
0xa9: {  	[dreg:$0x3] =	wrdreg s4  }
0xaa: {  	[dreg:$0x4] =	wrdreg $0xC0  }
0xab: {  	_ =	task [dreg:s6], $0x5FFFF  }
0xac: {  	[dreg:$0x1] =	wrdreg $0xFFFFFFFF  }
0xad: {  	[dreg:$0x0] =	wrdreg $0x60  }
0xae: {  	[dreg:$0x2] =	wrdreg s24  }
0xaf: {  	[dreg:$0x3] =	wrdreg $0x9  }
0xb0: {  	_ =	task.clear_ibuf [dreg:s6], $0x4FFFF;
	_ =	strace $0x90000046  }
0xb1: {  	s29 =	simm.s32 $0x9;
	_ =	strace $0x80000048  }
0xb2: {  	_ =	swait.ge [sflag:s29], $0x1  }
0xb3: {  	[sflag:s29] =	ssyncadd.s32 $0xFFFFFFFF  }
0xb4: {  	_ =	strace $0x90000048  }
0xb5: {  	_ =	sfence  }
0xb6: {  	s30 =	sld [smem:$0x0];
	_ =	sdelay $0x2  }
0xb7: {  	s31 =	sshll.u32 s1, $0xD;
	s1 =	sshrl.u32 s1, $0x2  }
0xb8: {  	s3 =	sand.u32 $0x4000, s31;
	s1 =	sadd.s32 s1, s30  }
0xb9: {  	s0 =	sor.u32 s3, s0;
	s1 =	sshll.u32 s1, $0x11  }
0xba: {  	s0 =	sor.u32 s1, s0  }
0xbb: {  	s0 =	sadd.s32 $0x8F2B, s0  }
0xbc: {  	[sflag:s0] =	ssyncadd.remote.s32 $0x1  }
0xbd: {  	_ =	sfence.sel $0xFFFF  }
0xbe: {  	[dreg:$0x0] =	wrdreg $0xFFFFFFFF;
	(pc) =	sbr.abs _section_cstart, $3  }
0xbf: {  	[dreg:$0x1] =	wrdreg $0xFFFFFFFF  }
0xc0: {  	_ =	task.clear_ibuf [dreg:s6], $0x2FFFF;
	_ =	strace $0x9FFFFFFF  }
0xc1: {  	(tm) =	ssettm $0x7FFFFFFF  }
tec
execute0_lowered:
.L_overlay_start_1:
0x0: {  	(tag) =	ssettag $0x1  }
0x1: {  	s0 =	rddreg [dreg:$0x0];
	s1 =	simm.s32 $0x0;
	s2 =	srdreg.scid  }
0x2: {  	s5 =	stileid.u32;
	s12 =	simm.s32 $0x3;
	s15 =	simm.s32 $0x4E20  }
0x3: {  	s16 =	simm.s32 $0x7530;
	s17 =	simm.s32 $0x9C40;
	s18 =	simm.s32 $0xC350  }
0x4: {  	s19 =	simm.s32 $0x1;
	s20 =	simm.s32 $0x2;
	s21 =	simm.s32 $0xEBA0  }
0x5: {  	s22 =	simm.s32 $0xEBB0;
	s23 =	simm.s32 $0xEBC0;
	s24 =	simm.s32 $0xEBD0  }
0x6: {  	[smem:$0x7FF] =	sst s1;
	s3 =	sadd.s32 $0xA00, s0;
	s4 =	sadd.s32 $0x800, s0  }
0x7: {  	s2 =	sand.u32 $0x1, s2;
	s29 =	sadd.s32 $0x600, s0;
	s5 =	sshll.u32 s5, $0x1  }
0x8: {  	v0 =	vlaneseq.u32;
	vm1 =	vcmask $0x704;
	vm2 =	vcmask $0xB08;
	s6 =	sadd.s32 $0x5BEA00, s0;
	_ =	strace $0x80000047;
	s30 =	ssub.s32 $0x2, s2  }
0x9: {  	vm3 =	vcmask $0xF0C;
	vm4 =	vcmask $0x1310;
	vm5 =	vcmask $0x1714;
	[dreg:$0x2] =	wrdreg s4;
	s7 =	sor.u32 s2, s5;
	s31 =	sshrl.u32 s30, $0x1  }
0xa: {  	vm6 =	vcmask $0x1B18;
	vm7 =	vcmask $0x1F1C;
	vm8 =	vcmask $0x2320;
	[dreg:$0x3] =	wrdreg s29;
	s2 =	sand.u32 $0xF, s7;
	s0 =	ssub.s32 s30, s31  }
0xb: {  	vm9 =	vcmask $0x2724;
	vm10 =	vcmask $0x2B28;
	p0 =	slt.s32 s7, $0x10;
	s8 =	sor.u32 $0x20, s7;
	v1 =	vmov s2;
	s0 =	smax.u32 s0, $0x1  }
0xc: {  	vm11 =	vcmask $0x2F2C;
	vm12 =	vcmask $0x2F34;
	s9 =	sor.u32 $0x40, s7;
	s2 =	simm.s32 $0x0;
	vm0 =	veq.s32 v1, v0;
	[dreg:$0x4] =	wrdreg s0  }
.LBB2_1:
0xd: {  	[dreg:$0x5] =	wrdreg s2  }
0xe: {  	s0 =	rddreg [dreg:$0x2];
	s29 =	simm.s32 $0xEA60  }
0xf: {  	[tilespmem:s29], [sflag:$0x3] =	stream.linear.gather [hbm4b:s0+s1], $0xA0, $0x38;
	[tilespmem:$0xEBE0] =	vst v63  }
0x10: {  	_ =	swait.ge [sflag:s12], $0xA0  }
0x11: {  	[sflag:s12] =	ssyncset.done $0x0  }
0x12: {  	s31 =	simm.s32 $0xEB00;
	s30 =	rddreg [dreg:$0x3];
	[sflag:s12] =	ssyncadd.s32 $0xFFFFFF60  }
0x13: {  	[tilespmem:s31], [sflag:$0x3] =	stream.linear.gather [hbm4b:s30+s1], $0xA0, $0x38;
	[tilespmem:$0xEBE0] =	vst v63  }
0x14: {  	_ =	swait.ge [sflag:s12], $0xA0  }
0x15: {  	[sflag:s12] =	ssyncset.done $0x0  }
0x16: {  	s26 =	simm.s32 $0x0;
	[sflag:s12] =	ssyncadd.s32 $0xFFFFFF60  }
.LBB2_2:
0x17: {  	s28 =	sshll.u32 s26, $0x5  }
0x18: {  	s0 =	sor.u32 $0x10, s28  }
0x19: {  	s0 =	smov.u32 @p0 s28  }
0x1a: {  	v1 =	vld [tilespmem:s0+$0xEA60];
	_ =	sdelay $0x4  }
0x1b: {  	v1 =	vxor.u32 $0x80000000, v1  }
0x1c: {  	v1 =	vnsel vm0, $0x80000000, v1  }
0x1d: {  	(xrf0) =	vmax.scan.msk.u32 $0xffff, v1;
	_ =	sdelay $0x5  }
0x1e: {  	s14 =	smul.u32 $0x60, s26;
	v1, _, _ =	vpop (xrf0)  }
0x1f: {  	(v2sf) =	vpush v1, $0xF  }
0x20: {  	s2 =	sor.u32 s7, s14  }
0x21: {  	s5 =	sadd.s32 s8, s14;
	s31 =	smul.u32 $0x18800, s2  }
0x22: {  	s30 =	smul.u32 $0x18800, s5  }
0x23: {  	s4 =	simm.s32 $0x0;
	s0 =	sadd.s32 s9, s14;
	s2 =	sshrl.u32 s31, $0x3  }
0x24: {  	v8 =	vld [tilespmem:s28+$0xEB00];
	s29 =	smul.u32 $0x18800, s0;
	s25 =	sshrl.u32 s30, $0x3;
	s13 =	sadd.s32 s3, s2  }
0x25: {  	v9 =	vld [tilespmem:s28+$0xEB10];
	[tilespmem:s4], [sflag:$0x1] =	stream.linear.gather [hbm4b:s13+s4], $0x2710, $0x38  }
0x26: {  	s11 =	sadd.s32 s3, s25;
	s2 =	simm.s32 $0x2710;
	s5 =	sshrl.u32 s29, $0x3  }
0x27: {  	[tilespmem:s2], [sflag:$0x1] =	stream.linear.gather [hbm4b:s11+s4], $0x2710, $0x38;
	[tilespmem:$0xEBE0] =	vst v63  }
0x28: {  	s2 =	sadd.s32 s3, s5  }
0x29: {  	[tilespmem:s15], [sflag:$0x1] =	stream.linear.gather [hbm4b:s2+s4], $0x2710, $0x38;
	[tilespmem:$0xEBE0] =	vst v63  }
0x2a: {  	s10 =	sadd.s32 $0x4E2, s13  }
0x2b: {  	[tilespmem:s16], [sflag:$0x2] =	stream.linear.gather [hbm4b:s10+s4], $0x2710, $0x38;
	[tilespmem:$0xEBE0] =	vst v63  }
0x2c: {  	s10 =	sadd.s32 $0x4E2, s11  }
0x2d: {  	v12 =	vimm.f32 $0.0e+00;
	[tilespmem:s17], [sflag:$0x2] =	stream.linear.gather [hbm4b:s10+s4], $0x2710, $0x38;
	[tilespmem:$0xEBE0] =	vst v63  }
0x2e: {  	v2 =	vimm.f32 $0.0e+00;
	v3 =	vimm.f32 $0.0e+00;
	v4 =	vimm.f32 $0.0e+00;
	s0 =	spop (v2sf)  }
0x2f: {  	v5 =	vimm.f32 $0.0e+00;
	v6 =	vimm.f32 $0.0e+00;
	v10 =	vimm.f32 $0.0e+00;
	s14 =	sxor.u32 $0x80000000, s0  }
0x30: {  	v7 =	vimm.f32 $0.0e+00;
	v11 =	vimm.f32 $0.0e+00;
	s25 =	sadd.s32 $0x4E2, s2;
	v1 =	vmov s14  }
0x31: {  	[tilespmem:s18], [sflag:$0x2] =	stream.linear.gather [hbm4b:s25+s4], $0x2710, $0x38;
	vm13 =	veq.s32 v1, $0x1;
	vm14 =	veq.s32 v1, $0x0;
	v1 =	vimm.f32 $0.0e+00;
	[tilespmem:$0xEBE0] =	vst v63  }
.LBB2_3:
0x32: {  	_ =	swait.ge [sflag:s19], $0x2710  }
0x33: {  	[sflag:s19] =	ssyncset.done $0x0  }
0x34: {  	[sflag:s19] =	ssyncadd.s32 $0xFFFFD8F0  }
0x35: {  	_ =	swait.ge [sflag:s19], $0x2710  }
0x36: {  	[sflag:s19] =	ssyncset.done $0x0  }
0x37: {  	[sflag:s19] =	ssyncadd.s32 $0xFFFFD8F0  }
0x38: {  	_ =	swait.ge [sflag:s19], $0x2710  }
0x39: {  	[sflag:s19] =	ssyncset.done $0x0  }
0x3a: {  	s5 =	simm.s32 $0x0;
	[sflag:s19] =	ssyncadd.s32 $0xFFFFD8F0  }
0x3b: {  	v13 =	vld [tilespmem:s5+$0x0];
	_ =	sdelay $0x4  }
0x3c: {  	v16 =	vld [tilespmem:s5+$0x4E20];
	v14 =	vmul.f32 $1.442695020e+00, v13;
	_ =	sdelay $0x1  }
0x3d: {  	(erf) = vpow2.f32 v14;
	v14 =	vld [tilespmem:s5+$0x2710];
	_ =	sdelay $0x2  }
0x3e: {  	s25 =	simm.s32 $0x10;
	v15 =	vmul.f32 $1.442695020e+00, v16  }
0x3f: {  	v17 =	vld [tilespmem:s25+$0x0]  }
0x40: {  	(erf) = vpow2.f32 v15;
	v19 =	vmul.f32 $1.442695020e+00, v14;
	_ =	sdelay $0x1  }
0x41: {  	v18 =	vld [tilespmem:s25+$0x4E20];
	(erf) = vpow2.f32 v19;
	_ =	sdelay $0x1  }
0x42: {  	v20 =	vmul.f32 $1.442695020e+00, v17;
	v15 =	vld [tilespmem:s25+$0x2710];
	_ =	sdelay $0x2  }
0x43: {  	v19 =	vmul.f32 $1.442695020e+00, v18  }
0x44: {  	v16 =	vadd.f32 v16, v13;
	v13 =	vadd.f32 v18, v17;
	(erf) = vpow2.f32 v20;
	v20 =	vpop (erf)  }
0x45: {  	s10 =	simm.s32 $0x20;
	v22 =	vmul.f32 $1.442695020e+00, v15;
	(erf) = vpow2.f32 v19;
	v19 =	vimm.f32 $0.0e+00;
	v21 =	vpop (erf)  }
0x46: {  	v17 =	vld [tilespmem:s10+$0x0];
	s5 =	simm.s32 $0xC0;
	v11 =	vadd.f32 v20, v11;
	v18 =	vmul.f32 v21, v20;
	v10 =	vadd.f32 v21, v10  }
.LBB2_4:
0x47: {  	p1 =	sne.s32 s5, $0x9C00;
	v23 =	vld [tilespmem:s10+$0x4E20];
	(erf) = vpow2.f32 v22;
	v24 =	vpop (erf)  }
0x48: {  	v22 =	vmul.f32 v18, v24;
	v25 =	vmul.f32 v18, v16;
	v21 =	vsel vm13, v24, v21  }
0x49: {  	v6 =	vadd.f32 v18, v6;
	v18 =	vmul.f32 v24, v14;
	v26 =	vld [tilespmem:s10+$0x2710];
	v21 =	vsel vm14, v20, v21  }
0x4a: {  	v4 =	vadd.f32 v22, v4;
	v27 =	vmul.f32 v22, v16;
	v22 =	vmul.f32 v22, v14;
	v14 =	vmovc v15  }
.Ltmp0:
0x4b: {  	v5 =	vadd.f32 v25, v5;
	v2 =	vadd.f32 v18, v2;
	v16 =	vmovc v13;
	v15 =	vmul.f32 $1.442695020e+00, v17;
	(pc) =	sbr.rel @p1 .LBB2_4-.Ltmp0, $4  }
0x4c: {  	v18 =	vmul.f32 $1.442695020e+00, v23;
	v13 =	vadd.f32 v23, v17;
	v1 =	vadd.f32 v22, v1  }
0x4d: {  	v19 =	vadd.f32 v21, v19;
	v3 =	vadd.f32 v27, v3;
	(erf) = vpow2.f32 v15;
	v20 =	vpop (erf)  }
0x4e: {  	s10 =	sshra.s32 s5, $0x2;
	v22 =	vmul.f32 $1.442695020e+00, v26;
	(erf) = vpow2.f32 v18;
	v11 =	vadd.f32 v20, v11;
	v21 =	vpop (erf)  }
0x4f: {  	v7 =	vadd.f32 v24, v7;
	s5 =	sadd.s32 $0x40, s5;
	v17 =	vld [tilespmem:s10+$0x0];
	v18 =	vmul.f32 v21, v20;
	v10 =	vadd.f32 v21, v10;
	v15 =	vmovc v26  }
0x50: {  	v23 =	vld [tilespmem:s10+$0x4E20]  }
0x51: {  	v24 =	vld [tilespmem:s10+$0x2710];
	_ =	sdelay $0x2  }
0x52: {  	v25 =	vmul.f32 $1.442695020e+00, v17  }
0x53: {  	(erf) = vpow2.f32 v22;
	v22 =	vmul.f32 $1.442695020e+00, v23  }
0x54: {  	v62 =	vmul.f32 $1.442695020e+00, v24;
	(erf) = vpow2.f32 v25  }
0x55: {  	(erf) = vpow2.f32 v22  }
0x56: {  	(erf) = vpow2.f32 v62;
	_ =	sdelay $0x2  }
0x57: {  	v22 =	vpop (erf)  }
0x58: {  	v63 =	vpop (erf);
	v21 =	vsel vm13, v22, v21  }
0x59: {  	v26 =	vpop (erf)  }
0x5a: {  	v27 =	vpop (erf)  }
0x5b: {  	v20 =	vsel vm14, v20, v21;
	v21 =	vpop (erf)  }
0x5c: {  	v19 =	vadd.f32 v20, v19;
	v20 =	vsel vm13, v27, v26;
	v28 =	vpop (erf)  }
0x5d: {  	v20 =	vsel vm14, v63, v20;
	v29 =	vpop (erf)  }
0x5e: {  	v19 =	vadd.f32 v20, v19;
	v20 =	vsel vm13, v29, v28  }
0x5f: {  	p1 =	seq.s32 s4, $0x4;
	v20 =	vsel vm14, v21, v20  }
0x60: {  	s5 =	smul.u32 @!p1 $0x4E20, s4;
	v19 =	vadd.f32 v20, v19;
	_ =	sdelay $0x1  }
0x61: {  	s5 =	sadd.s32 @!p1 $0x4E20, s5;
	(xrf2) =	vadd.scan.msk.f32 $0xffff, v19  }
0x62: {  	s10 =	sadd.s32 @!p1 s31, s5  }
0x63: {  	s10 =	sshrl.u32 @!p1 s10, $0x3  }
0x64: {  	s25 =	simm.s32 @!p1 $0x0;
	s10 =	sadd.s32 @!p1 s3, s10  }
0x65: {  	[tilespmem:s25], [sflag:$0x1] =	stream.linear.gather @!p1 [hbm4b:s10+s25], $0x2710, $0x38;
	[tilespmem:$0xEBE0] =	vst v63  }
0x66: {  	s10 =	sadd.s32 @!p1 s30, s5  }
0x67: {  	s5 =	sadd.s32 @!p1 s29, s5;
	s10 =	sshrl.u32 @!p1 s10, $0x3  }
0x68: {  	s14 =	simm.s32 @!p1 $0x2710;
	s5 =	sshrl.u32 @!p1 s5, $0x3;
	s10 =	sadd.s32 @!p1 s3, s10  }
0x69: {  	[tilespmem:s14], [sflag:$0x1] =	stream.linear.gather @!p1 [hbm4b:s10+s25], $0x2710, $0x38;
	[tilespmem:$0xEBE0] =	vst v63  }
0x6a: {  	s5 =	sadd.s32 @!p1 s3, s5;
	s10 =	simm.s32 @!p1 $0x4E20  }
0x6b: {  	[tilespmem:s10], [sflag:$0x1] =	stream.linear.gather @!p1 [hbm4b:s5+s25], $0x2710, $0x38;
	v19, _, _ =	vpop (xrf2);
	[tilespmem:$0xEBE0] =	vst v63  }
0x6c: {  	_ =	swait.ge [sflag:s20], $0x2710  }
0x6d: {  	[sflag:s20] =	ssyncset.done $0x0  }
0x6e: {  	[sflag:s20] =	ssyncadd.s32 $0xFFFFD8F0  }
0x6f: {  	v20 =	vmul.f32 v18, v22;
	_ =	swait.ge [sflag:s20], $0x2710  }
0x70: {  	v30 =	vmul.f32 v18, v16;
	[sflag:s20] =	ssyncset.done $0x0  }
0x71: {  	v31 =	vmul.f32 v22, v14;
	v14 =	vmul.f32 v20, v14;
	[sflag:s20] =	ssyncadd.s32 $0xFFFFD8F0  }
0x72: {  	v6 =	vadd.f32 v18, v6;
	_ =	swait.ge [sflag:s20], $0x2710  }
0x73: {  	v5 =	vadd.f32 v30, v5;
	v1 =	vadd.f32 v14, v1;
	v14 =	vmul.f32 v26, v63;
	[sflag:s20] =	ssyncset.done $0x0  }
0x74: {  	v17 =	vadd.f32 v23, v17;
	s14 =	simm.s32 $0x0;
	v7 =	vadd.f32 v22, v7;
	v16 =	vmul.f32 v20, v16;
	[sflag:s20] =	ssyncadd.s32 $0xFFFFD8F0  }
0x75: {  	v11 =	vadd.f32 v63, v11;
	v4 =	vadd.f32 v20, v4;
	v20 =	vmul.f32 v14, v27;
	v18 =	vld [tilespmem:s14+$0x7530]  }
0x76: {  	v2 =	vadd.f32 v31, v2;
	v3 =	vadd.f32 v16, v3;
	v22 =	vmul.f32 v14, v13  }
0x77: {  	v6 =	vadd.f32 v14, v6;
	v14 =	vmul.f32 v27, v15;
	v15 =	vmul.f32 v20, v15;
	v16 =	vld [tilespmem:s14+$0xC350]  }
0x78: {  	v10 =	vadd.f32 v26, v10;
	v4 =	vadd.f32 v20, v4  }
0x79: {  	v13 =	vmul.f32 v20, v13;
	v20 =	vmul.f32 v28, v21;
	v15 =	vadd.f32 v15, v1;
	v1 =	vld [tilespmem:s14+$0x9C40]  }
0x7a: {  	v26 =	vadd.f32 v28, v10;
	v14 =	vadd.f32 v14, v2;
	v2 =	vmul.f32 $1.442695020e+00, v18  }
0x7b: {  	v23 =	vadd.f32 v13, v3;
	v10 =	vmul.f32 v20, v29;
	v13 =	vmul.f32 v29, v24  }
0x7c: {  	s5 =	sshll.u32 s4, $0x1;
	v5 =	vadd.f32 v22, v5;
	v22 =	vmul.f32 $1.442695020e+00, v16;
	(erf) = vpow2.f32 v2  }
0x7d: {  	v2 =	vadd.f32 v20, v6;
	v6 =	vadd.f32 v13, v14;
	v14 =	vmov s5  }
0x7e: {  	s25 =	simm.s32 $0x10;
	(erf) = vpow2.f32 v22;
	vm15 =	veq.s32 v14, v0;
	v14 =	vmul.f32 $1.442695020e+00, v1  }
0x7f: {  	v25 =	vadd.f32 v21, v11;
	v11 =	vadd.f32 v27, v7;
	v7 =	vmul.f32 v20, v17;
	v21 =	vld [tilespmem:s25+$0x7530]  }
0x80: {  	v3 =	vadd.f32 v10, v4;
	v4 =	vmul.f32 v10, v24;
	v20 =	vld [tilespmem:s25+$0xC350];
	(erf) = vpow2.f32 v14  }
0x81: {  	v10 =	vmul.f32 v10, v17  }
0x82: {  	v4 =	vadd.f32 v4, v15;
	v15 =	vbroadcast v19, $0xF;
	v13 =	vld [tilespmem:s25+$0x9C40]  }
0x83: {  	v5 =	vadd.f32 v7, v5;
	v7 =	vadd.f32 v10, v23  }
0x84: {  	v10 =	vadd.f32 v29, v11;
	v11 =	vnsel vm15, $0x0, v15;
	v15 =	vmul.f32 $1.442695020e+00, v21  }
0x85: {  	v17 =	vimm.f32 $0.0e+00;
	v14 =	vmul.f32 $1.442695020e+00, v20  }
0x86: {  	v16 =	vadd.f32 v16, v18;
	v12 =	vadd.f32 v11, v12;
	(erf) = vpow2.f32 v15;
	v19 =	vpop (erf)  }
0x87: {  	s25 =	simm.s32 $0x20;
	v11 =	vadd.f32 v20, v21;
	v22 =	vmul.f32 $1.442695020e+00, v13;
	(erf) = vpow2.f32 v14;
	v21 =	vpop (erf)  }
0x88: {  	s10 =	simm.s32 $0xC0;
	v18 =	vld [tilespmem:s25+$0x7530];
	v14 =	vadd.f32 v19, v25;
	v20 =	vmul.f32 v21, v19;
	v15 =	vadd.f32 v21, v26  }
.LBB2_6:
0x89: {  	p2 =	sne.s32 s10, $0x9C00;
	v23 =	vld [tilespmem:s25+$0xC350];
	(erf) = vpow2.f32 v22;
	v24 =	vpop (erf)  }
0x8a: {  	v22 =	vmul.f32 v20, v24;
	v25 =	vmul.f32 v20, v16;
	v21 =	vsel vm13, v24, v21  }
0x8b: {  	v2 =	vadd.f32 v20, v2;
	v20 =	vmul.f32 v24, v1;
	v26 =	vld [tilespmem:s25+$0x9C40];
	v21 =	vsel vm14, v19, v21  }
0x8c: {  	v3 =	vadd.f32 v22, v3;
	v27 =	vmul.f32 v22, v16;
	v22 =	vmul.f32 v22, v1;
	v1 =	vmovc v13  }
.Ltmp1:
0x8d: {  	v5 =	vadd.f32 v25, v5;
	v6 =	vadd.f32 v20, v6;
	v16 =	vmovc v11;
	v13 =	vmul.f32 $1.442695020e+00, v18;
	(pc) =	sbr.rel @p2 .LBB2_6-.Ltmp1, $4  }
0x8e: {  	v20 =	vmul.f32 $1.442695020e+00, v23;
	v11 =	vadd.f32 v23, v18;
	v4 =	vadd.f32 v22, v4  }
0x8f: {  	v17 =	vadd.f32 v21, v17;
	v7 =	vadd.f32 v27, v7;
	(erf) = vpow2.f32 v13;
	v19 =	vpop (erf)  }
0x90: {  	s25 =	sshra.s32 s10, $0x2;
	v22 =	vmul.f32 $1.442695020e+00, v26;
	(erf) = vpow2.f32 v20;
	v14 =	vadd.f32 v19, v14;
	v21 =	vpop (erf)  }
0x91: {  	v10 =	vadd.f32 v24, v10;
	s10 =	sadd.s32 $0x40, s10;
	v18 =	vld [tilespmem:s25+$0x7530];
	v20 =	vmul.f32 v21, v19;
	v15 =	vadd.f32 v21, v15;
	v13 =	vmovc v26  }
0x92: {  	v23 =	vld [tilespmem:s25+$0xC350]  }
0x93: {  	v24 =	vld [tilespmem:s25+$0x9C40];
	_ =	sdelay $0x2  }
0x94: {  	v25 =	vmul.f32 $1.442695020e+00, v18  }
0x95: {  	(erf) = vpow2.f32 v22;
	v49 =	vmul.f32 $1.442695020e+00, v23  }
0x96: {  	v50 =	vmul.f32 $1.442695020e+00, v24;
	(erf) = vpow2.f32 v25  }
0x97: {  	(erf) = vpow2.f32 v49  }
0x98: {  	(erf) = vpow2.f32 v50;
	_ =	sdelay $0x2  }
0x99: {  	v51 =	vpop (erf)  }
0x9a: {  	v52 =	vpop (erf)  }
0x9b: {  	v26 =	vpop (erf)  }
0x9c: {  	v21 =	vsel vm13, v51, v21;
	v27 =	vpop (erf)  }
0x9d: {  	v19 =	vsel vm14, v19, v21;
	v53 =	vpop (erf)  }
0x9e: {  	v17 =	vadd.f32 v19, v17;
	v54 =	vsel vm13, v27, v26;
	v28 =	vpop (erf)  }
0x9f: {  	v19 =	vsel vm14, v52, v54;
	v29 =	vpop (erf)  }
0xa0: {  	v17 =	vadd.f32 v19, v17;
	v55 =	vsel vm13, v29, v28  }
0xa1: {  	v30 =	vmul.f32 v20, v51;
	v19 =	vsel vm14, v53, v55  }
0xa2: {  	v31 =	vmul.f32 v20, v16;
	v17 =	vadd.f32 v19, v17  }
0xa3: {  	v56 =	vmul.f32 v51, v1;
	v2 =	vadd.f32 v20, v2;
	v1 =	vmul.f32 v30, v1  }
0xa4: {  	v59 =	vadd.f32 v51, v10;
	v3 =	vadd.f32 v30, v3;
	v57 =	vmul.f32 v30, v16;
	(xrf2) =	vadd.scan.msk.f32 $0xffff, v17  }
0xa5: {  	v5 =	vadd.f32 v31, v5;
	v1 =	vadd.f32 v1, v4;
	v4 =	vmul.f32 v26, v52  }
0xa6: {  	v6 =	vadd.f32 v56, v6;
	v58 =	vadd.f32 v23, v18  }
0xa7: {  	v7 =	vadd.f32 v57, v7;
	v14 =	vadd.f32 v52, v14;
	v10 =	vmul.f32 v4, v27  }
0xa8: {  	v60 =	vmul.f32 v4, v11;
	v2 =	vadd.f32 v4, v2;
	v4 =	vmul.f32 v27, v13  }
0xa9: {  	v3 =	vadd.f32 v10, v3;
	v11 =	vmul.f32 v10, v11;
	v10 =	vmul.f32 v10, v13  }
0xaa: {  	s5 =	sor.u32 $0x1, s5;
	v15 =	vadd.f32 v26, v15;
	v13 =	vadd.f32 v4, v6;
	v4 =	vmul.f32 v28, v53  }
0xab: {  	v63 =	vmov s5;
	v5 =	vadd.f32 v60, v5;
	v1 =	vadd.f32 v10, v1  }
0xac: {  	v7 =	vadd.f32 v11, v7;
	v11 =	vadd.f32 v53, v14;
	v14 =	vmul.f32 v4, v29  }
0xad: {  	v10 =	vadd.f32 v28, v15;
	v61 =	vmul.f32 v4, v58;
	v6 =	vadd.f32 v4, v2  }
.Ltmp2:
0xae: {  	v2 =	vmul.f32 v29, v24;
	v4 =	vadd.f32 v14, v3;
	v3 =	vmul.f32 v14, v58;
	v62, _, _ =	vpop (xrf2);
	(pc) =	sbr.rel @p1 .LBB2_9-.Ltmp2, $4  }
0xaf: {  	v15 =	vadd.f32 v27, v59;
	v14 =	vmul.f32 v14, v24;
	v17 =	vbroadcast v62, $0xF  }
0xb0: {  	vm15 =	veq.s32 v63, v0;
	v5 =	vadd.f32 v61, v5;
	v2 =	vadd.f32 v2, v13  }
0xb1: {  	v1 =	vadd.f32 v14, v1;
	v3 =	vadd.f32 v3, v7;
	v13 =	vnsel vm15, $0x0, v17  }
0xb2: {  	v7 =	vadd.f32 v29, v15;
	v12 =	vadd.f32 v13, v12  }
0xb3: {  	s5 =	smul.u32 $0x4E20, s4;
	_ =	sdelay $0x1  }
0xb4: {  	s5 =	sadd.s32 $0x7530, s5  }
0xb5: {  	s10 =	sadd.s32 s31, s5  }
0xb6: {  	s10 =	sshrl.u32 s10, $0x3  }
0xb7: {  	s25 =	sadd.s32 s30, s5;
	s10 =	sadd.s32 s3, s10  }
0xb8: {  	[tilespmem:s16], [sflag:$0x2] =	stream.linear.gather [hbm4b:s10+s1], $0x2710, $0x38;
	[tilespmem:$0xEBE0] =	vst v63  }
.Ltmp3:
0xb9: {  	s5 =	sadd.s32 s29, s5;
	s10 =	sshrl.u32 s25, $0x3;
	(pc) =	sbr.rel .LBB2_3-.Ltmp3, $4  }
0xba: {  	s5 =	sshrl.u32 s5, $0x3;
	s10 =	sadd.s32 s3, s10  }
0xbb: {  	[tilespmem:s17], [sflag:$0x2] =	stream.linear.gather [hbm4b:s10+s1], $0x2710, $0x38;
	[tilespmem:$0xEBE0] =	vst v63  }
0xbc: {  	s4 =	sadd.s32 $0x1, s4;
	s5 =	sadd.s32 s3, s5  }
0xbd: {  	[tilespmem:s18], [sflag:$0x2] =	stream.linear.gather [hbm4b:s5+s1], $0x2710, $0x38;
	[tilespmem:$0xEBE0] =	vst v63  }
.LBB2_9:
0xbe: {  	v8 =	vpsel p0, v8, v9  }
0xbf: {  	v8 =	vnsel vm0, $0x0, v8  }
0xc0: {  	(xrf0) =	vmax.scan.msk.f32 $0xffff, v8;
	_ =	sdelay $0x1  }
0xc1: {  	v15 =	vimm.f32 $0.0e+00  }
0xc2: {  	[tilespmem:$0xEBA0] =	vst v15  }
0xc3: {  	[tilespmem:$0xEBB0] =	vst v15  }
0xc4: {  	s5 =	sadd.s32 $0x30D4, s13;
	s4 =	simm.s32 $0x0;
	[tilespmem:$0xEBC0] =	vst v15  }
0xc5: {  	[tilespmem:s21], [sflag:$0x3] =	stream.linear.gather [hbm4b:s5+s4], $0x1, $0x38;
	v8, _, _ =	vpop (xrf0);
	[tilespmem:$0xEBE0] =	vst v63  }
0xc6: {  	_ =	swait.ge [sflag:s12], $0x1  }
0xc7: {  	[sflag:s12] =	ssyncset.done $0x0  }
0xc8: {  	s10 =	sadd.s32 $0x30D4, s11;
	[sflag:s12] =	ssyncadd.s32 $0xFFFFFFFF  }
0xc9: {  	[tilespmem:s22], [sflag:$0x3] =	stream.linear.gather [hbm4b:s10+s4], $0x1, $0x38;
	[tilespmem:$0xEBE0] =	vst v63  }
0xca: {  	_ =	swait.ge [sflag:s12], $0x1  }
0xcb: {  	[sflag:s12] =	ssyncset.done $0x0  }
0xcc: {  	s2 =	sadd.s32 $0x30D4, s2;
	[sflag:s12] =	ssyncadd.s32 $0xFFFFFFFF  }
0xcd: {  	[tilespmem:s23], [sflag:$0x3] =	stream.linear.gather [hbm4b:s2+s4], $0x1, $0x38;
	[tilespmem:$0xEBE0] =	vst v63  }
0xce: {  	_ =	swait.ge [sflag:s12], $0x1  }
0xcf: {  	(xrf2) =	vadd.scan.msk.f32 $0xffff, v12;
	_ =	sdelay $0x9  }
0xd0: {  	v9, _, _ =	vpop (xrf2)  }
0xd1: {  	v16 =	vmul.f32 v9, v8;
	_ =	sdelay $0x1  }
0xd2: {  	v14 =	vbroadcast v16, $0xF;
	_ =	sdelay $0x1  }
0xd3: {  	vm13 =	vlt.f32 v9, v14  }
0xd4: {  	v8 =	vmpcnt.ones.xlane vm13;
	_ =	sdelay $0x1  }
0xd5: {  	vm13 =	vlt.s32 v8, $0x9  }
0xd6: {  	v18 =	vnsel vm13, $0x9, v8  }
0xd7: {  	v8 =	vxor.u32 $0x80000000, v18  }
0xd8: {  	(xrf0) =	vmax.scan.msk.u32 $0xffff, v8;
	_ =	sdelay $0x5  }
0xd9: {  	v8, _, _ =	vpop (xrf0)  }
0xda: {  	(v2sf) =	vpush v8, $0xF;
	_ =	sdelay $0x9  }
0xdb: {  	s11 =	smul.u32 $0x3, s26;
	_ =	sdelay $0x1  }
0xdc: {  	s0 =	sadd.s32 s11, s0  }
0xdd: {  	s14 =	sshll.u32 s0, $0x5  }
0xde: {  	s25 =	sor.u32 s7, s14  }
0xdf: {  	s2 =	smul.u32 $0x18800, s25;
	s13 =	spop (v2sf)  }
0xe0: {  	s0 =	smul.u32 $0x2710, s13  }
0xe1: {  	[sflag:s12] =	ssyncset.done $0x0  }
0xe2: {  	[sflag:s12] =	ssyncadd.s32 $0xFFFFFFFF;
	s2 =	sadd.s32 s2, s0  }
0xe3: {  	v13 =	vld [tilespmem:$0xEBC0];
	s2 =	sshrl.u32 s2, $0x3  }
0xe4: {  	v9 =	vld [tilespmem:$0xEBA0];
	s2 =	sadd.s32 s3, s2  }
0xe5: {  	v8 =	vld [tilespmem:$0xEBB0];
	[tilespmem:s4], [sflag:$0x3] =	stream.linear.gather [hbm4b:s2+s4], $0x2710, $0x38  }
0xe6: {  	_ =	swait.ge [sflag:s12], $0x2710  }
0xe7: {  	[sflag:s12] =	ssyncset.done $0x0  }
0xe8: {  	v17 =	vimm.f32 $0.0e+00;
	s2 =	simm.s32 $0x0;
	[sflag:s12] =	ssyncadd.s32 $0xFFFFD8F0  }
.LBB2_10:
0xe9: {  	v19 =	vmov s4;
	_ =	sdelay $0x3  }
0xea: {  	s5 =	simm.s32 $0x0  }
0xeb: {  	s25 =	simm.s32 $0x10;
	v20 =	vld.idx.msk [tilespmem:v19+s5+$0x0 ss:$0x1], $0xffff  }
0xec: {  	v21 =	vld.idx.msk [tilespmem:v19+s25+$0x0 ss:$0x1], $0xffff;
	_ =	sdelay $0x3  }
0xed: {  	v20 =	vmul.f32 $1.442695020e+00, v20  }
0xee: {  	v22 =	vmul.f32 $1.442695020e+00, v21  }
0xef: {  	(erf) = vpow2.f32 v20  }
0xf0: {  	(erf) = vpow2.f32 v22  }
0xf1: {  	s10 =	simm.s32 $0x20  }
0xf2: {  	s5 =	simm.s32 $0xC0;
	v21 =	vld.idx.msk [tilespmem:v19+s10+$0x0 ss:$0x1], $0xffff;
	v20 =	vimm.f32 $0.0e+00  }
.LBB2_11:
0xf3: {  	_ = 	snop  }
0xf4: {  	p1 =	sne.s32 s5, $0x600  }
.Ltmp4:
0xf5: {  	_ = 	snop;
	(pc) =	sbr.rel @p1 .LBB2_11-.Ltmp4, $4  }
0xf6: {  	_ = 	snop  }
0xf7: {  	v23 =	vmul.f32 $1.442695020e+00, v21  }
0xf8: {  	s10 =	sshra.s32 s5, $0x2;
	v22 =	vpop (erf)  }
0xf9: {  	s5 =	sadd.s32 $0x40, s5;
	v20 =	vadd.f32 v22, v20;
	v21 =	vld.idx.msk [tilespmem:v19+s10+$0x0 ss:$0x1], $0xffff;
	(erf) = vpow2.f32 v23  }
0xfa: {  	_ =	sdelay $0x3  }
0xfb: {  	v19 =	vmul.f32 $1.442695020e+00, v21;
	_ =	sdelay $0x1  }
0xfc: {  	(erf) = vpow2.f32 v19;
	_ =	sdelay $0x4  }
0xfd: {  	v19 =	vpop (erf)  }
0xfe: {  	v19 =	vadd.f32 v19, v20  }
0xff: {  	v20 =	vpop (erf)  }
0x100: {  	v19 =	vadd.f32 v20, v19  }
0x101: {  	v20 =	vpop (erf)  }
0x102: {  	v19 =	vadd.f32 v20, v19;
	_ =	sdelay $0x1  }
0x103: {  	(xrf2) =	vadd.scan.msk.f32 $0xffff, v19;
	_ =	sdelay $0x7  }
0x104: {  	s5 =	sand.u32 $0xF, s2;
	v63 =	vmov s2;
	s2 =	sadd.s32 $0x1, s2  }
0x105: {  	p1 =	sne.s32 s2, $0x19  }
.Ltmp5:
0x106: {  	vm14 =	vlt.u32 v63, $0x10;
	v20 =	vmov s5;
	v19, _, _ =	vpop (xrf2);
	(pc) =	sbr.rel @p1 .LBB2_10-.Ltmp5, $4  }
0x107: {  	vm15 =	vgt.u32 v63, $0xF;
	vm13 =	veq.s32 v20, v0;
	v19 =	vbroadcast v19, $0xF  }
0x108: {  	vm14 =	vmand vm14, vm13;
	vm13 =	vmand vm15, vm13  }
0x109: {  	v20 =	vnsel vm14, $0x0, v19;
	v19 =	vnsel vm13, $0x0, v19  }
0x10a: {  	s4 =	sadd.s32 $0x190, s4;
	v17 =	vadd.f32 v20, v17;
	v15 =	vadd.f32 v19, v15  }
0x10b: {  	vm13 =	vgt.s32 v18, v0  }
0x10c: {  	v12 =	vnsel vm13, $0x0, v12  }
0x10d: {  	(xrf2) =	vadd.scan.msk.f32 $0xffff, v12  }
0x10e: {  	(xrf2) =	vadd.scan.msk.f32 $0xffff, v17;
	_ =	sdelay $0x1  }
0x10f: {  	(xrf2) =	vadd.scan.msk.f32 $0xffff, v15;
	_ =	sdelay $0x6  }
0x110: {  	v12, _, _ =	vpop (xrf2)  }
0x111: {  	v18, _, _ =	vpop (xrf2)  }
0x112: {  	v16 =	vsub.f32 v16, v12;
	v19 =	vbroadcast v18, $0xF  }
0x113: {  	v20, _, _ =	vpop (xrf2)  }
0x114: {  	v16 =	vbroadcast v16, $0xF;
	v19 =	vadd.f32 v19, v20;
	_ =	sdelay $0x1  }
0x115: {  	vm13 =	vlt.f32 v18, v16;
	vm14 =	vlt.f32 v19, v16  }
0x116: {  	v16 =	vmpcnt.ones.xlane vm13;
	v18 =	vmpcnt.ones.xlane vm14;
	_ =	sdelay $0x1  }
0x117: {  	v18 =	vadd.s32 v16, v18  }
0x118: {  	vm13 =	vlt.s32 v18, $0x18  }
0x119: {  	v19 =	vnsel vm13, $0x18, v18  }
0x11a: {  	v16 =	vxor.u32 $0x80000000, v19  }
0x11b: {  	(xrf0) =	vmax.scan.msk.u32 $0xffff, v16;
	_ =	sdelay $0x5  }
0x11c: {  	v16, _, _ =	vpop (xrf0)  }
0x11d: {  	(v2sf) =	vpush v16, $0xF;
	_ =	sdelay $0xe  }
0x11e: {  	s2 =	spop (v2sf)  }
0x11f: {  	s4 =	smul.u32 $0x640, s2;
	_ =	sdelay $0x1  }
0x120: {  	s4 =	sshra.s32 s4, $0x2  }
0x121: {  	v16 =	vmov s4;
	_ =	sdelay $0x3  }
0x122: {  	s11 =	simm.s32 $0x0  }
0x123: {  	v20 =	vld.idx.msk [tilespmem:v16+s11+$0x0 ss:$0x1], $0xffff;
	_ =	sdelay $0x4  }
0x124: {  	v20 =	vmul.f32 $1.442695020e+00, v20  }
0x125: {  	s13 =	simm.s32 $0x10  }
0x126: {  	vm13 =	vgt.s32 v18, v0;
	v18 =	vld.idx.msk [tilespmem:v16+s13+$0x0 ss:$0x1], $0xffff;
	(erf) = vpow2.f32 v20;
	v20 =	vor.u32 $0x10, v0  }
0x127: {  	vm14 =	vgt.s32 v19, v20  }
0x128: {  	v17 =	vnsel vm13, $0x0, v17;
	v15 =	vnsel vm14, $0x0, v15  }
0x129: {  	v15 =	vadd.f32 v15, v17;
	_ =	sdelay $0x1  }
0x12a: {  	(xrf2) =	vadd.scan.msk.f32 $0xffff, v15;
	v15 =	vmul.f32 $1.442695020e+00, v18  }
0x12b: {  	s14 =	simm.s32 $0x20  }
0x12c: {  	(erf) = vpow2.f32 v15;
	v15 =	vld.idx.msk [tilespmem:v16+s14+$0x0 ss:$0x1], $0xffff;
	_ =	sdelay $0x3  }
0x12d: {  	s25 =	simm.s32 $0x30;
	v17 =	vpop (erf)  }
0x12e: {  	(xrf2) =	vadd.scan.msk.f32 $0xffff, v17;
	v17 =	vld.idx.msk [tilespmem:v16+s25+$0x0 ss:$0x1], $0xffff;
	v15 =	vmul.f32 $1.442695020e+00, v15;
	_ =	sdelay $0x1  }
0x12f: {  	(erf) = vpow2.f32 v15;
	_ =	sdelay $0x2  }
0x130: {  	v17 =	vmul.f32 $1.442695020e+00, v17;
	v19 =	vpop (erf)  }
0x131: {  	s5 =	simm.s32 $0x40;
	v18, _, _ =	vpop (xrf2);
	(xrf2) =	vadd.scan.msk.f32 $0xffff, v19  }
0x132: {  	v12 =	vadd.f32 v18, v12;
	v18 =	vld.idx.msk [tilespmem:v16+s5+$0x0 ss:$0x1], $0xffff;
	(erf) = vpow2.f32 v17;
	_ =	sdelay $0x1  }
0x133: {  	v15 =	vbroadcast v12, $0xF  }
0x134: {  	s4 =	simm.s32 $0x140;
	v12 =	vimm.s32 $0x0;
	v17, _, _ =	vpop (xrf2)  }
.LBB2_14:
0x135: {  	s5 =	sshra.s32 s4, $0x2;
	p1 =	sne.s32 s4, $0x600;
	s4 =	sadd.s32 $0x40, s4;
	v19 =	vpop (erf);
	v20 =	vadd.f32 v17, v15  }
.Ltmp6:
0x136: {  	v21 =	vmul.f32 $1.442695020e+00, v18;
	v18 =	vld.idx.msk [tilespmem:v16+s5+$0x0 ss:$0x1], $0xffff;
	(xrf2) =	vadd.scan.msk.f32 $0xffff, v19;
	(pc) =	sbr.rel @p1 .LBB2_14-.Ltmp6, $4  }
0x137: {  	vm13 =	vlt.f32 v20, v14;
	v20 =	vbroadcast v17, $0xF  }
0x138: {  	(erf) = vpow2.f32 v21;
	v19 =	vmpcnt.ones.xlane vm13  }
0x139: {  	v15 =	vadd.f32 v20, v15  }
0x13a: {  	v17, _, _ =	vpop (xrf2);
	v12 =	vadd.s32 v12, v19  }
0x13b: {  	v16 =	vmul.f32 $1.442695020e+00, v18;
	_ =	sdelay $0x1  }
0x13c: {  	(erf) = vpow2.f32 v16;
	_ =	sdelay $0x2  }
0x13d: {  	v58 =	vpop (erf)  }
0x13e: {  	(xrf2) =	vadd.scan.msk.f32 $0xffff, v58  }
0x13f: {  	v59 =	vpop (erf)  }
0x140: {  	(xrf2) =	vadd.scan.msk.f32 $0xffff, v59;
	_ =	sdelay $0x2  }
0x141: {  	v60 =	vpop (erf)  }
0x142: {  	(xrf2) =	vadd.scan.msk.f32 $0xffff, v60  }
0x143: {  	v61 =	vbroadcast v17, $0xF  }
0x144: {  	v62, _, _ =	vpop (xrf2)  }
0x145: {  	v16 =	vadd.f32 v61, v15;
	v19 =	vbroadcast v62, $0xF  }
0x146: {  	v20, _, _ =	vpop (xrf2)  }
0x147: {  	v19 =	vadd.f32 v19, v16;
	v21 =	vbroadcast v20, $0xF  }
0x148: {  	v22, _, _ =	vpop (xrf2)  }
0x149: {  	v63 =	vadd.f32 v17, v15;
	v24 =	vadd.f32 v21, v19;
	v25 =	vbroadcast v22, $0xF  }
0x14a: {  	v16 =	vadd.f32 v62, v16  }
0x14b: {  	vm13 =	vlt.f32 v63, v14;
	v26 =	vadd.f32 v20, v19;
	v27 =	vadd.f32 v25, v24  }
0x14c: {  	v28 =	vmpcnt.ones.xlane vm13;
	vm14 =	vlt.f32 v16, v14;
	v17 =	vadd.f32 v22, v24;
	v29, _, _ =	vpop (xrf2)  }
0x14d: {  	v30 =	vmpcnt.ones.xlane vm14;
	vm13 =	vlt.f32 v26, v14;
	v18 =	vadd.f32 v29, v27  }
0x14e: {  	v12 =	vadd.s32 v12, v28;
	v31 =	vmpcnt.ones.xlane vm13;
	vm13 =	vlt.f32 v17, v14  }
0x14f: {  	v12 =	vadd.s32 v12, v30;
	v32 =	vmpcnt.ones.xlane vm13;
	vm13 =	vlt.f32 v18, v14  }
0x150: {  	v12 =	vadd.s32 v12, v31;
	v14 =	vmpcnt.ones.xlane vm13  }
0x151: {  	v12 =	vadd.s32 v12, v32  }
0x152: {  	v12 =	vadd.s32 v12, v14  }
0x153: {  	v12 =	vxor.u32 $0x80000000, v12  }
0x154: {  	(xrf0) =	vmax.scan.msk.u32 $0xffff, v12;
	_ =	sdelay $0x5  }
0x155: {  	v12, _, _ =	vpop (xrf0)  }
0x156: {  	(v2sf) =	vpush v12, $0xF;
	_ =	sdelay $0xa  }
0x157: {  	v33 =	vmul.f32 $1.442695020e+00, v9  }
0x158: {  	v34 =	vmul.f32 $1.442695020e+00, v8  }
0x159: {  	v35 =	vmul.f32 $1.442695020e+00, v13;
	s2 =	smul.u32 $0x190, s2;
	(erf) = vpow2.f32 v33  }
0x15a: {  	(erf) = vpow2.f32 v34  }
0x15b: {  	s0 =	sadd.s32 s0, s2;
	(erf) = vpow2.f32 v35;
	s13 =	spop (v2sf)  }
0x15c: {  	s0 =	sadd.s32 s13, s0  }
0x15d: {  	s0 =	sadd.s32 $0x80000000, s0  }
0x15e: {  	p1 =	slt.s32 s0, $0x1869F  }
0x15f: {  	s0 =	simm.s32 @!p1 $0x1869F  }
0x160: {  	s14 =	sand.u32 $0xFFFFFFF0, s0  }
0x161: {  	s4 =	sadd.s32 s31, s14  }
0x162: {  	v36 =	vpop (erf);
	s4 =	sshrl.u32 s4, $0x3  }
0x163: {  	v14 =	vpop (erf);
	s4 =	sadd.s32 s3, s4  }
0x164: {  	v37 =	vpop (erf);
	[tilespmem:s16], [sflag:$0x3] =	stream.linear.gather [hbm4b:s4+s1], $0x10, $0x38;
	[tilespmem:$0xEBE0] =	vst v63  }
0x165: {  	_ =	swait.ge [sflag:s12], $0x10  }
0x166: {  	[sflag:s12] =	ssyncset.done $0x0  }
0x167: {  	[sflag:s12] =	ssyncadd.s32 $0xFFFFFFF0  }
0x168: {  	v38 =	vld [tilespmem:$0x7530];
	_ =	sdelay $0x1  }
0x169: {  	s25 =	sand.u32 $0xF, s0  }
0x16a: {  	v39 =	vmov s25  }
0x16b: {  	vm14 =	veq.s32 v39, v0  }
0x16c: {  	v16 =	vnsel vm14, $0x0, v38  }
0x16d: {  	(xrf2) =	vadd.scan.msk.f32 $0xffff, v16;
	_ =	sdelay $0x6  }
0x16e: {  	s30 =	sadd.s32 s30, s14  }
0x16f: {  	s4 =	sshrl.u32 s30, $0x3  }
0x170: {  	s4 =	sadd.s32 s3, s4  }
0x171: {  	[tilespmem:s16], [sflag:$0x3] =	stream.linear.gather [hbm4b:s4+s1], $0x10, $0x38;
	v16, _, _ =	vpop (xrf2);
	[tilespmem:$0xEBE0] =	vst v63  }
0x172: {  	_ =	swait.ge [sflag:s12], $0x10  }
0x173: {  	[sflag:s12] =	ssyncset.done $0x0  }
0x174: {  	[sflag:s12] =	ssyncadd.s32 $0xFFFFFFF0  }
0x175: {  	v40 =	vld [tilespmem:$0x7530];
	_ =	sdelay $0x4  }
0x176: {  	v17 =	vnsel vm14, $0x0, v40  }
0x177: {  	(xrf2) =	vadd.scan.msk.f32 $0xffff, v17;
	_ =	sdelay $0x6  }
0x178: {  	s2 =	sadd.s32 s29, s14  }
0x179: {  	s2 =	sshrl.u32 s2, $0x3  }
0x17a: {  	s2 =	sadd.s32 s3, s2  }
0x17b: {  	[tilespmem:s16], [sflag:$0x3] =	stream.linear.gather [hbm4b:s2+s1], $0x10, $0x38;
	v17, _, _ =	vpop (xrf2);
	[tilespmem:$0xEBE0] =	vst v63  }
0x17c: {  	_ =	swait.ge [sflag:s12], $0x10  }
0x17d: {  	[sflag:s12] =	ssyncset.done $0x0  }
0x17e: {  	[sflag:s12] =	ssyncadd.s32 $0xFFFFFFF0  }
0x17f: {  	v41 =	vld [tilespmem:$0x7530];
	_ =	sdelay $0x2  }
0x180: {  	vm13 =	vmmov $0x1  }
0x181: {  	v42 =	vnsel vm13, $0x0, v36  }
0x182: {  	v11 =	vadd.f32 v42, v11;
	v18 =	vnsel vm14, $0x0, v41  }
0x183: {  	v43 =	vnsel vm13, $0x0, v14;
	(xrf2) =	vadd.scan.msk.f32 $0xffff, v18  }
0x184: {  	v7 =	vadd.f32 v43, v7;
	(xrf2) =	vadd.scan.msk.f32 $0xffff, v11  }
0x185: {  	v45 =	vadd.f32 v13, v9;
	v44 =	vmul.f32 v37, v36;
	v46 =	vnsel vm13, $0x0, v37  }
0x186: {  	v10 =	vadd.f32 v46, v10;
	(xrf2) =	vadd.scan.msk.f32 $0xffff, v7  }
0x187: {  	v47 =	vnsel vm13, $0x0, v44;
	v48 =	vmul.f32 v44, v45  }
0x188: {  	v49 =	vmul.f32 v44, v14;
	v6 =	vadd.f32 v47, v6;
	(xrf2) =	vadd.scan.msk.f32 $0xffff, v10  }
0x189: {  	v50 =	vnsel vm13, $0x0, v48  }
0x18a: {  	v9 =	vmul.f32 v49, v45;
	v5 =	vadd.f32 v50, v5;
	(xrf2) =	vadd.scan.msk.f32 $0xffff, v6  }
0x18b: {  	v51 =	vnsel vm13, $0x0, v49  }
0x18c: {  	v4 =	vadd.f32 v51, v4;
	v53 =	vnsel vm13, $0x0, v9;
	(xrf2) =	vadd.scan.msk.f32 $0xffff, v5  }
0x18d: {  	v54 =	vmul.f32 v14, v8;
	v3 =	vadd.f32 v53, v3;
	v7 =	vmul.f32 v49, v8;
	v52, _, _ =	vpop (xrf2)  }
0x18e: {  	(xrf2) =	vadd.scan.msk.f32 $0xffff, v4;
	v55, _, _ =	vpop (xrf2)  }
0x18f: {  	v56 =	vnsel vm13, $0x0, v54;
	(xrf2) =	vadd.scan.msk.f32 $0xffff, v3;
	v3 =	vnsel vm13, $0x0, v7;
	v6 =	vbroadcast v55, $0xF  }
0x190: {  	v2 =	vadd.f32 v56, v2;
	v57, _, _ =	vpop (xrf2)  }
0x191: {  	v4 =	vbroadcast v57, $0xF;
	v6 =	vnsel vm13, $0x0, v6  }
0x192: {  	v1 =	vadd.f32 v3, v1;
	(xrf2) =	vadd.scan.msk.f32 $0xffff, v2;
	v3, _, _ =	vpop (xrf2);
	v2 =	vadd.f32 $0.0e+00, v6  }
0x193: {  	v4 =	vnsel vm1, $0x0, v4;
	v3 =	vbroadcast v3, $0xF  }
0x194: {  	(xrf2) =	vadd.scan.msk.f32 $0xffff, v1;
	v58, _, _ =	vpop (xrf2);
	v1 =	vadd.f32 v4, v2  }
0x195: {  	v2 =	vnsel vm2, $0x0, v3;
	v3 =	vbroadcast v58, $0xF  }
0x196: {  	v59, _, _ =	vpop (xrf2);
	v1 =	vadd.f32 v2, v1  }
0x197: {  	v2 =	vnsel vm3, $0x0, v3;
	v3 =	vbroadcast v59, $0xF  }
0x198: {  	v60, _, _ =	vpop (xrf2);
	v1 =	vadd.f32 v2, v1  }
0x199: {  	v2 =	vnsel vm4, $0x0, v3;
	v3 =	vbroadcast v60, $0xF  }
0x19a: {  	v61, _, _ =	vpop (xrf2);
	v1 =	vadd.f32 v2, v1  }
0x19b: {  	v2 =	vnsel vm5, $0x0, v3;
	v3 =	vbroadcast v61, $0xF  }
0x19c: {  	v62, _, _ =	vpop (xrf2);
	v1 =	vadd.f32 v1, v2  }
0x19d: {  	v2 =	vnsel vm6, $0x0, v3;
	v3 =	vbroadcast v62, $0xF  }
0x19e: {  	v63, _, _ =	vpop (xrf2);
	v1 =	vadd.f32 v1, v2  }
0x19f: {  	v2 =	vnsel vm7, $0x0, v3;
	v3 =	vbroadcast v63, $0xF  }
0x1a0: {  	v1 =	vadd.f32 v1, v2  }
0x1a1: {  	v2 =	vnsel vm8, $0x0, v3;
	v3 =	vbroadcast v16, $0xF  }
0x1a2: {  	v1 =	vadd.f32 v1, v2  }
0x1a3: {  	v2 =	vnsel vm9, $0x0, v3;
	v3 =	vbroadcast v17, $0xF  }
0x1a4: {  	v1 =	vadd.f32 v2, v1  }
0x1a5: {  	v2 =	vnsel vm10, $0x0, v3;
	v3 =	vbroadcast v52, $0xF  }
0x1a6: {  	v1 =	vadd.f32 v2, v1;
	v2 =	vmov s0  }
0x1a7: {  	v3 =	vnsel vm11, $0x0, v3;
	v2 =	vcvt.s32.f32 v2  }
0x1a8: {  	v1 =	vadd.f32 v3, v1  }
0x1a9: {  	v2 =	vsel vm12, $0x0, v2  }
0x1aa: {  	s26 =	sadd.s32 $0x1, s26;
	s31 =	sor.u32 s7, s28;
	v1 =	vadd.f32 v1, v2  }
0x1ab: {  	p1 =	sne.s32 s26, $0x5;
	s0 =	sshll.u32 s31, $0x1  }
.Ltmp7:
0x1ac: {  	s0 =	sadd.s32 s6, s0;
	[tilespmem:$0xEBD0] =	vst v1;
	(pc) =	sbr.rel @p1 .LBB2_2-.Ltmp7, $4  }
0x1ad: {  	[hbm4b:s0+s1] =	stream.linear.scatter [tilespmem:s24], [sflag:$0x3], $0x10, $0x38;
	[tilespmem:$0xEBE0] =	vst v63  }
0x1ae: {  	_ =	swait.ge [sflag:s12], $0x10  }
0x1af: {  	[sflag:s12] =	ssyncset.done $0x0  }
0x1b0: {  	[sflag:s12] =	ssyncadd.s32 $0xFFFFFFF0  }
0x1b1: {  	s2 =	rddreg [dreg:$0x5]  }
0x1b2: {  	s0 =	rddreg [dreg:$0x4];
	s2 =	sadd.s32 $0x1, s2  }
0x1b3: {  	p1 =	sne.s32 s2, s0  }
.Ltmp8:
0x1b4: {  	_ = 	snop;
	(pc) =	sbr.rel @p1 .LBB2_1-.Ltmp8, $1  }
0x1b5: {  	_ =	sdelay $0x3  }
0x1b6: {  	_ =	sfence.sel $0x180000  }
0x1b7: {  	[bflag:$0x0] =	sbarrier.arrive $0xFFFF  }
0x1b8: {  	_ =	strace $0x90000047  }
0x1b9: {  	s0 =	stileid.u32;
	[bflag:$0x2] =	sbarrier.arrive $0xFFFF  }
0x1ba: {  	p0 =	sne.s32 s0, $0x0;
	s0 =	rddreg [dreg:$0x1]  }
0x1bb: {  	s0 =	sadd.s32 @!p0 $0x100000, s0  }
0x1bc: {  	[sflag:s0] =	ssyncadd.tile.s32 @!p0 $0x1;
	_ =	shalt  }
.Lfunc_end2:
_tile_overlayer_lowered:
.L_overlay_start_2:
0x1bd: {  	(tag) =	ssettag $0x2  }
0x1be: {  	s0 =	rddreg [dreg:$0x0];
	s2 =	stileid.u32  }
0x1bf: {  	s1 =	rddreg [dreg:$0x1];
	p0 =	sne.s32 s2, $0x0  }
0x1c0: {  	s3 =	rddreg [dreg:$0x2];
	[bflag:$0x3] =	sbarrier.arrive $0xFFFF;
	s2 =	simm.s32 @!p0 $0x1C03  }
0x1c1: {  	[timem:s3], [sflag:s2] =	dma.local @!p0 [hbm:s0], s1  }
0x1c2: {  	s0 =	simm.s32 @!p0 $0x3  }
0x1c3: {  	_ =	swait.ge @!p0 [sflag:s0], s1  }
0x1c4: {  	s1 =	ssub.s32 @!p0 $0x0, s1;
	[sflag:s0] =	ssyncset.done @!p0 $0x0  }
0x1c5: {  	[sflag:s0] =	ssyncadd.s32 @!p0 s1  }
0x1c6: {  	[bflag:$0x3] =	sbarrier.arrive $0xFFFF  }
0x1c7: {  	_ =	shalt  }

</sc_bundles>
